<compile_context>
chip_gen: v7x
topology: tpu7x:2x2x1
jax: 0.10.2.dev20260603
libtpu: 0.0.44.dev20260713+nightly
codegen_flags: <defaults>
</compile_context>

<pallas_src>
import functools

import jax
import jax.numpy as jnp
from jax import lax
from jax.experimental import pallas as pl
from jax.experimental.pallas import tpu as pltpu
from jax.experimental.pallas import tpu_sc as plsc

N = 10000
E = 320000
D = 128
H = 256
G = 64
C = 10

_K = 80
_NSUB = 16
_NCORE = 2
_RPS = 624
_REM = N - _RPS * _NSUB


def _make_sc_agg(num_h_rows: int, nch: int):
  mesh = plsc.VectorSubcoreMesh(core_axis_name="c", subcore_axis_name="s")

  @functools.partial(
      pl.kernel,
      mesh=mesh,
      out_type=jax.ShapeDtypeStruct((_NCORE, N, D), jnp.float32),
      scratch_types=[
          pltpu.VMEM((nch, _K), jnp.int32),
          pltpu.VMEM((nch, _K), jnp.int32),
          pltpu.VMEM((_K, D), jnp.float32),
          pltpu.VMEM_SHARED((N, D), jnp.float32),
          pltpu.SemaphoreType.DMA,
      ],
  )
  def sc_agg(h_hbm, srcT_hbm, dstT_hbm, zz_hbm, out_hbm,
             srcv, dstv, rows, acc, sem):
    c = lax.axis_index("c")
    s = lax.axis_index("s")
    pltpu.sync_copy(zz_hbm.at[pl.ds(s * _RPS, _RPS)],
                    acc.at[pl.ds(s * _RPS, _RPS)])

    @pl.when(s == 0)
    def _():
      pltpu.sync_copy(zz_hbm.at[pl.ds(_RPS * _NSUB, _REM)],
                      acc.at[pl.ds(_RPS * _NSUB, _REM)])
    pltpu.sync_copy(srcT_hbm.at[c, s], srcv)
    pltpu.sync_copy(dstT_hbm.at[c, s], dstv)
    plsc.subcore_barrier()

    def body(j, carry):
      pltpu.async_copy(h_hbm.at[srcv.at[j]], rows, sem).wait()
      pltpu.sync_copy(rows, acc.at[dstv.at[j]], add=True)
      return carry

    lax.fori_loop(0, nch, body, 0)
    plsc.subcore_barrier()
    pltpu.sync_copy(acc.at[pl.ds(s * _RPS, _RPS)],
                    out_hbm.at[c, pl.ds(s * _RPS, _RPS)])

    @pl.when(s == 0)
    def _():
      pltpu.sync_copy(acc.at[pl.ds(_RPS * _NSUB, _REM)],
                      out_hbm.at[c, pl.ds(_RPS * _NSUB, _REM)])

  return sc_agg


_sc_agg_l0 = _make_sc_agg(N, (E // 32) // _K)


def _mlp0_body(h_ref, agg_ref, w1_ref, b1_ref, w2_ref, b2_ref, eps_ref, o_ref):
  z = (1.0 + eps_ref[0, 0]) * h_ref[...] + agg_ref[0] + agg_ref[1]
  y = jnp.maximum(jnp.dot(z, w1_ref[...],
                          preferred_element_type=jnp.float32) + b1_ref[...], 0.0)
  o_ref[...] = jnp.maximum(jnp.dot(y, w2_ref[...],
                                   preferred_element_type=jnp.float32)
                           + b2_ref[...], 0.0)


def _mlp1_pool_body(h_ref, aggl_ref, aggr_ref, w1_ref, b1_ref, w2_ref,
                    b2_ref, eps_ref, batch_ref, wf_ref, bf_ref, o_ref,
                    acc_ref):
  i = pl.program_id(0)

  @pl.when(i == 0)
  def _():
    acc_ref[...] = jnp.zeros_like(acc_ref)

  agg = jnp.concatenate([aggl_ref[0] + aggl_ref[1],
                         aggr_ref[0] + aggr_ref[1]], axis=-1)
  z = (1.0 + eps_ref[0, 0]) * h_ref[...] + agg
  y = jnp.maximum(jnp.dot(z, w1_ref[...],
                          preferred_element_type=jnp.float32) + b1_ref[...], 0.0)
  h2 = jnp.maximum(jnp.dot(y, w2_ref[...],
                           preferred_element_type=jnp.float32)
                   + b2_ref[...], 0.0)
  b = batch_ref[0, 0, :]
  gids = lax.broadcasted_iota(jnp.int32, (G, _BR), 0)
  mask = (b[None, :] == gids).astype(jnp.float32)
  acc_ref[...] += jnp.dot(mask, h2, preferred_element_type=jnp.float32)

  @pl.when(i == pl.num_programs(0) - 1)
  def _():
    logits = jnp.dot(acc_ref[...], wf_ref[...],
                     preferred_element_type=jnp.float32) + bf_ref[...]
    m = jnp.max(logits, axis=1, keepdims=True)
    shifted = logits - m
    lse = jnp.log(jnp.sum(jnp.exp(shifted), axis=1, keepdims=True))
    o_ref[...] = shifted - lse


_BR = 1000


def _tc_mlp(h, aggs, w1, b1, w2, b2, eps, body, din):
  nblk = N // _BR
  agg_specs = [pl.BlockSpec((2, _BR, D), lambda i: (0, i, 0)) for _ in aggs]
  return pl.pallas_call(
      body,
      grid=(nblk,),
      in_specs=[
          pl.BlockSpec((_BR, din), lambda i: (i, 0)),
          *agg_specs,
          pl.BlockSpec((din, H), lambda i: (0, 0)),
          pl.BlockSpec((1, H), lambda i: (0, 0)),
          pl.BlockSpec((H, H), lambda i: (0, 0)),
          pl.BlockSpec((1, H), lambda i: (0, 0)),
          pl.BlockSpec((1, 1), lambda i: (0, 0)),
      ],
      out_specs=pl.BlockSpec((_BR, H), lambda i: (i, 0)),
      out_shape=jax.ShapeDtypeStruct((N, H), jnp.float32),
  )(h, *aggs, w1, b1.reshape(1, H), w2, b2.reshape(1, H), eps.reshape(1, 1))


def _tc_mlp1_pool(h, aggs, w1, b1, w2, b2, eps, batch, wf, bf):
  nblk = N // _BR
  agg_specs = [pl.BlockSpec((2, _BR, D), lambda i: (0, i, 0)) for _ in aggs]
  return pl.pallas_call(
      _mlp1_pool_body,
      grid=(nblk,),
      in_specs=[
          pl.BlockSpec((_BR, H), lambda i: (i, 0)),
          *agg_specs,
          pl.BlockSpec((H, H), lambda i: (0, 0)),
          pl.BlockSpec((1, H), lambda i: (0, 0)),
          pl.BlockSpec((H, H), lambda i: (0, 0)),
          pl.BlockSpec((1, H), lambda i: (0, 0)),
          pl.BlockSpec((1, 1), lambda i: (0, 0)),
          pl.BlockSpec((1, 1, _BR), lambda i: (i, 0, 0)),
          pl.BlockSpec((H, C), lambda i: (0, 0)),
          pl.BlockSpec((1, C), lambda i: (0, 0)),
      ],
      out_specs=pl.BlockSpec((G, C), lambda i: (0, 0)),
      out_shape=jax.ShapeDtypeStruct((G, C), jnp.float32),
      scratch_shapes=[pltpu.VMEM((G, H), jnp.float32)],
  )(h, *aggs, w1, b1.reshape(1, H), w2, b2.reshape(1, H), eps.reshape(1, 1),
    batch.reshape(nblk, 1, _BR), wf, bf.reshape(1, C))


def kernel(x, edge_index, batch, W1, b1, W2, b2, eps0, W3, b3, W4, b4, eps1,
           Wf, bf):
  src = edge_index[0]
  dst = edge_index[1]
  zz = jnp.zeros((N, D), jnp.float32)

  src0 = src.reshape(_NCORE, _NSUB, -1, _K)
  dst0 = dst.reshape(_NCORE, _NSUB, -1, _K)
  agg0 = _sc_agg_l0(x, src0, dst0, zz)
  h1 = _tc_mlp(x, [agg0], W1, b1, W2, b2, eps0, _mlp0_body, D)

  aggL = _sc_agg_l0(h1[:, :D], src0, dst0, zz)
  aggR = _sc_agg_l0(h1[:, D:], src0, dst0, zz)

  return _tc_mlp1_pool(h1, [aggL, aggR], W3, b3, W4, b4, eps1, batch, Wf, bf)

# --- scband reference (transcript-rebuilt; emitter-appended) ---
"""Pipeline reference for scband-gingraph-classifier-39848706573594 (READ-ONLY COPY).

The authoritative reference and input builder live on the scoring server;
editing this copy changes nothing except your own understanding.
"""

import jax, jax.numpy as jnp
import numpy as np

N = 10000
E = 320000
D = 128
H = 256
C = 10
G = 64


def setup_inputs(seed: int = 0) -> dict:
    key = jax.random.key(seed)
    ks = jax.random.split(key, 16)
    x = jax.random.normal(ks[0], (N, D), dtype=jnp.float32)
    edge_index = jax.random.randint(ks[1], (2, E), 0, N, dtype=jnp.int32)
    batch = jnp.sort(jax.random.randint(ks[2], (N,), 0, G, dtype=jnp.int32))
    # Layer 0 MLP: Linear(D,H) -> ReLU -> Linear(H,H) -> ReLU, train_eps
    W1 = jax.random.normal(ks[3], (D, H), dtype=jnp.float32) * (1.0 / np.sqrt(D))
    b1 = jnp.zeros((H,), dtype=jnp.float32)
    W2 = jax.random.normal(ks[4], (H, H), dtype=jnp.float32) * (1.0 / np.sqrt(H))
    b2 = jnp.zeros((H,), dtype=jnp.float32)
    eps0 = jnp.zeros((), dtype=jnp.float32)
    # Layer 1 MLP: Linear(H,H) -> ReLU -> Linear(H,H) -> ReLU, train_eps
    W3 = jax.random.normal(ks[5], (H, H), dtype=jnp.float32) * (1.0 / np.sqrt(H))
    b3 = jnp.zeros((H,), dtype=jnp.float32)
    W4 = jax.random.normal(ks[6], (H, H), dtype=jnp.float32) * (1.0 / np.sqrt(H))
    b4 = jnp.zeros((H,), dtype=jnp.float32)
    eps1 = jnp.zeros((), dtype=jnp.float32)
    # Final classifier
    Wf = jax.random.normal(ks[7], (H, C), dtype=jnp.float32) * (1.0 / np.sqrt(H))
    bf = jnp.zeros((C,), dtype=jnp.float32)
    return {"x": x, "edge_index": edge_index, "batch": batch,
            "W1": W1, "b1": b1, "W2": W2, "b2": b2, "eps0": eps0,
            "W3": W3, "b3": b3, "W4": W4, "b4": b4, "eps1": eps1,
            "Wf": Wf, "bf": bf}


def _gin_layer(h, src, dst, eps, Wa, ba, Wb, bb):
    # GINConv: nn((1 + eps) * x_i + sum_{j in N(i)} x_j)
    msgs = h[src]
    agg = jnp.zeros_like(h).at[dst].add(msgs)
    out = (1.0 + eps) * h + agg
    out = jax.nn.relu(out @ Wa + ba)
    out = jax.nn.relu(out @ Wb + bb)
    return out


def reference(x, edge_index, batch, W1, b1, W2, b2, eps0, W3, b3, W4, b4, eps1, Wf, bf):
    src = edge_index[0]
    dst = edge_index[1]
    h = _gin_layer(x, src, dst, eps0, W1, b1, W2, b2)
    h = jax.nn.relu(h)  # extra ReLU after conv, as in the torch forward
    h = _gin_layer(h, src, dst, eps1, W3, b3, W4, b4)
    h = jax.nn.relu(h)
    pooled = jax.ops.segment_sum(h, batch, num_segments=G)  # global_add_pool
    logits = pooled @ Wf + bf
    return jax.nn.log_softmax(logits, axis=1)

if __name__ == "__main__":
    import jax
    _d = setup_inputs()
    print(jax.jit(kernel)(*tuple(_d.values())))

</pallas_src>

<mosaic_0001>
#map = affine_map<(d0, d1) -> (0, 0)>
#map1 = affine_map<(d0, d1) -> (0, 0, 0, 0)>
#map2 = affine_map<(d0, d1) -> (0, 0, 0)>
module attributes {stable_mosaic.version = 14 : i64} {
  func.func @sc_agg(%arg0: i32, %arg1: i32, %arg2: memref<10000x128xf32, #tpu.memory_space<hbm>>, %arg3: memref<2x16x125x80xi32, #tpu.memory_space<hbm>>, %arg4: memref<2x16x125x80xi32, #tpu.memory_space<hbm>>, %arg5: memref<10000x128xf32, #tpu.memory_space<hbm>>, %arg6: memref<2x10000x128xf32, #tpu.memory_space<hbm>>, %arg7: memref<125x80xi32, #tpu.memory_space<vmem>>, %arg8: memref<125x80xi32, #tpu.memory_space<vmem>>, %arg9: memref<80x128xf32, #tpu.memory_space<vmem>>, %arg10: memref<10000x128xf32, #tpu.memory_space<vmem_shared>>, %arg11: memref<!tpu.dma_semaphore, #tpu.memory_space<semaphore_mem>>) attributes {dimension_semantics = [#tpu.dimension_semantics<core_parallel>, #tpu.dimension_semantics<subcore_parallel>], iteration_bounds = array<i64: 2, 16>, scalar_prefetch = 0 : i64, scratch_operands = 5 : i64, tpu.core_type = #tpu.core_type<sc_vector_subcore>, window_params = [{transform_indices = #map}, {transform_indices = #map1}, {transform_indices = #map1}, {transform_indices = #map}, {transform_indices = #map2}]} {
    %mul3A = arith.constant 624 : i32
    %mul3A_0 = arith.muli %arg1, %mul3A : i32
    %mul3A_1 = arith.constant 624 : i32
    %mul3A_2 = arith.muli %arg1, %mul3A_1 : i32
    "tpu.region"() ({
      %run_scoped3A = tpu.sem_alloc : memref<!tpu.dma_semaphore, #tpu.memory_space<semaphore_mem>>
      %dma_start3A = arith.constant 0 : i32
      %dma_start3A_20 = tpu.memref_slice %arg10[%mul3A_2, %dma_start3A] : memref<10000x128xf32, #tpu.memory_space<vmem_shared>> -> memref<624x128xf32, #tpu.memory_space<vmem_shared>>
      %dma_start3A_21 = arith.constant 0 : i32
      %dma_start3A_22 = tpu.memref_slice %arg5[%mul3A_0, %dma_start3A_21] : memref<10000x128xf32, #tpu.memory_space<hbm>> -> memref<624x128xf32, #tpu.memory_space<hbm>>
      tpu.enqueue_dma source(%dma_start3A_22 : memref<624x128xf32, #tpu.memory_space<hbm>>) target(%dma_start3A_20 : memref<624x128xf32, #tpu.memory_space<vmem_shared>>) target_semaphore(%run_scoped3A : memref<!tpu.dma_semaphore, #tpu.memory_space<semaphore_mem>>)
      %dma_wait3A = arith.constant 0 : i32
      %dma_wait3A_23 = tpu.memref_slice %arg10[%mul3A_2, %dma_wait3A] : memref<10000x128xf32, #tpu.memory_space<vmem_shared>> -> memref<624x128xf32, #tpu.memory_space<vmem_shared>>
      %dma_wait3A_24 = arith.constant 0 : i32
      %dma_wait3A_25 = tpu.memref_slice %arg5[%mul3A_0, %dma_wait3A_24] : memref<10000x128xf32, #tpu.memory_space<hbm>> -> memref<624x128xf32, #tpu.memory_space<hbm>>
      tpu.wait_dma2 semaphore(%run_scoped3A : memref<!tpu.dma_semaphore, #tpu.memory_space<semaphore_mem>>) src(%dma_wait3A_25 : memref<624x128xf32, #tpu.memory_space<hbm>>) dst(%dma_wait3A_23 : memref<624x128xf32, #tpu.memory_space<vmem_shared>>)
      tpu.yield
    }) : () -> ()
    %eq3A = arith.constant 0 : i32
    %eq3A_3 = arith.cmpi eq, %arg1, %eq3A : i32
    %convert_element_type3A = arith.extui %eq3A_3 : i1 to i32
    %cond3A = arith.constant 0 : i32
    %cond3A_4 = arith.cmpi ne, %convert_element_type3A, %cond3A : i32
    scf.if %cond3A_4 {
      "tpu.region"() ({
        %run_scoped3A = tpu.sem_alloc : memref<!tpu.dma_semaphore, #tpu.memory_space<semaphore_mem>>
        %dma_start3A = arith.constant 9984 : i32
        %dma_start3A_20 = arith.constant 0 : i32
        %dma_start3A_21 = tpu.memref_slice %arg10[%dma_start3A, %dma_start3A_20] : memref<10000x128xf32, #tpu.memory_space<vmem_shared>> -> memref<16x128xf32, #tpu.memory_space<vmem_shared>>
        %dma_start3A_22 = arith.constant 9984 : i32
        %dma_start3A_23 = arith.constant 0 : i32
        %dma_start3A_24 = tpu.memref_slice %arg5[%dma_start3A_22, %dma_start3A_23] : memref<10000x128xf32, #tpu.memory_space<hbm>> -> memref<16x128xf32, #tpu.memory_space<hbm>>
        tpu.enqueue_dma source(%dma_start3A_24 : memref<16x128xf32, #tpu.memory_space<hbm>>) target(%dma_start3A_21 : memref<16x128xf32, #tpu.memory_space<vmem_shared>>) target_semaphore(%run_scoped3A : memref<!tpu.dma_semaphore, #tpu.memory_space<semaphore_mem>>)
        %dma_wait3A = arith.constant 9984 : i32
        %dma_wait3A_25 = arith.constant 0 : i32
        %dma_wait3A_26 = tpu.memref_slice %arg10[%dma_wait3A, %dma_wait3A_25] : memref<10000x128xf32, #tpu.memory_space<vmem_shared>> -> memref<16x128xf32, #tpu.memory_space<vmem_shared>>
        %dma_wait3A_27 = arith.constant 9984 : i32
        %dma_wait3A_28 = arith.constant 0 : i32
        %dma_wait3A_29 = tpu.memref_slice %arg5[%dma_wait3A_27, %dma_wait3A_28] : memref<10000x128xf32, #tpu.memory_space<hbm>> -> memref<16x128xf32, #tpu.memory_space<hbm>>
        tpu.wait_dma2 semaphore(%run_scoped3A : memref<!tpu.dma_semaphore, #tpu.memory_space<semaphore_mem>>) src(%dma_wait3A_29 : memref<16x128xf32, #tpu.memory_space<hbm>>) dst(%dma_wait3A_26 : memref<16x128xf32, #tpu.memory_space<vmem_shared>>)
        tpu.yield
      }) : () -> ()
    } else {
    }
    "tpu.region"() ({
      %run_scoped3A = tpu.sem_alloc : memref<!tpu.dma_semaphore, #tpu.memory_space<semaphore_mem>>
      %dma_start3A = arith.constant 0 : i32
      %dma_start3A_20 = arith.constant 0 : i32
      %dma_start3A_21 = tpu.memref_slice %arg3[%arg0, %arg1, %dma_start3A, %dma_start3A_20] : memref<2x16x125x80xi32, #tpu.memory_space<hbm>> -> memref<1x1x125x80xi32, #tpu.memory_space<hbm>>
      %dma_start3A_22 = tpu.memref_squeeze %dma_start3A_21 : memref<1x1x125x80xi32, #tpu.memory_space<hbm>> -> memref<125x80xi32, #tpu.memory_space<hbm>>
      %dma_start3A_23 = arith.constant 0 : i32
      %dma_start3A_24 = arith.constant 0 : i32
      %dma_start3A_25 = tpu.memref_slice %arg3[%arg0, %arg1, %dma_start3A_23, %dma_start3A_24] : memref<2x16x125x80xi32, #tpu.memory_space<hbm>> -> memref<1x1x125x80xi32, #tpu.memory_space<hbm>>
      %dma_start3A_26 = tpu.memref_squeeze %dma_start3A_25 : memref<1x1x125x80xi32, #tpu.memory_space<hbm>> -> memref<125x80xi32, #tpu.memory_space<hbm>>
      tpu.enqueue_dma source(%dma_start3A_26 : memref<125x80xi32, #tpu.memory_space<hbm>>) target(%arg7 : memref<125x80xi32, #tpu.memory_space<vmem>>) target_semaphore(%run_scoped3A : memref<!tpu.dma_semaphore, #tpu.memory_space<semaphore_mem>>)
      %dma_wait3A = arith.constant 0 : i32
      %dma_wait3A_27 = arith.constant 0 : i32
      %dma_wait3A_28 = tpu.memref_slice %arg3[%arg0, %arg1, %dma_wait3A, %dma_wait3A_27] : memref<2x16x125x80xi32, #tpu.memory_space<hbm>> -> memref<1x1x125x80xi32, #tpu.memory_space<hbm>>
      %dma_wait3A_29 = tpu.memref_squeeze %dma_wait3A_28 : memref<1x1x125x80xi32, #tpu.memory_space<hbm>> -> memref<125x80xi32, #tpu.memory_space<hbm>>
      %dma_wait3A_30 = arith.constant 0 : i32
      %dma_wait3A_31 = arith.constant 0 : i32
      %dma_wait3A_32 = tpu.memref_slice %arg3[%arg0, %arg1, %dma_wait3A_30, %dma_wait3A_31] : memref<2x16x125x80xi32, #tpu.memory_space<hbm>> -> memref<1x1x125x80xi32, #tpu.memory_space<hbm>>
      %dma_wait3A_33 = tpu.memref_squeeze %dma_wait3A_32 : memref<1x1x125x80xi32, #tpu.memory_space<hbm>> -> memref<125x80xi32, #tpu.memory_space<hbm>>
      tpu.wait_dma2 semaphore(%run_scoped3A : memref<!tpu.dma_semaphore, #tpu.memory_space<semaphore_mem>>) src(%dma_wait3A_33 : memref<125x80xi32, #tpu.memory_space<hbm>>) dst(%arg7 : memref<125x80xi32, #tpu.memory_space<vmem>>)
      tpu.yield
    }) : () -> ()
    "tpu.region"() ({
      %run_scoped3A = tpu.sem_alloc : memref<!tpu.dma_semaphore, #tpu.memory_space<semaphore_mem>>
      %dma_start3A = arith.constant 0 : i32
      %dma_start3A_20 = arith.constant 0 : i32
      %dma_start3A_21 = tpu.memref_slice %arg4[%arg0, %arg1, %dma_start3A, %dma_start3A_20] : memref<2x16x125x80xi32, #tpu.memory_space<hbm>> -> memref<1x1x125x80xi32, #tpu.memory_space<hbm>>
      %dma_start3A_22 = tpu.memref_squeeze %dma_start3A_21 : memref<1x1x125x80xi32, #tpu.memory_space<hbm>> -> memref<125x80xi32, #tpu.memory_space<hbm>>
      %dma_start3A_23 = arith.constant 0 : i32
      %dma_start3A_24 = arith.constant 0 : i32
      %dma_start3A_25 = tpu.memref_slice %arg4[%arg0, %arg1, %dma_start3A_23, %dma_start3A_24] : memref<2x16x125x80xi32, #tpu.memory_space<hbm>> -> memref<1x1x125x80xi32, #tpu.memory_space<hbm>>
      %dma_start3A_26 = tpu.memref_squeeze %dma_start3A_25 : memref<1x1x125x80xi32, #tpu.memory_space<hbm>> -> memref<125x80xi32, #tpu.memory_space<hbm>>
      tpu.enqueue_dma source(%dma_start3A_26 : memref<125x80xi32, #tpu.memory_space<hbm>>) target(%arg8 : memref<125x80xi32, #tpu.memory_space<vmem>>) target_semaphore(%run_scoped3A : memref<!tpu.dma_semaphore, #tpu.memory_space<semaphore_mem>>)
      %dma_wait3A = arith.constant 0 : i32
      %dma_wait3A_27 = arith.constant 0 : i32
      %dma_wait3A_28 = tpu.memref_slice %arg4[%arg0, %arg1, %dma_wait3A, %dma_wait3A_27] : memref<2x16x125x80xi32, #tpu.memory_space<hbm>> -> memref<1x1x125x80xi32, #tpu.memory_space<hbm>>
      %dma_wait3A_29 = tpu.memref_squeeze %dma_wait3A_28 : memref<1x1x125x80xi32, #tpu.memory_space<hbm>> -> memref<125x80xi32, #tpu.memory_space<hbm>>
      %dma_wait3A_30 = arith.constant 0 : i32
      %dma_wait3A_31 = arith.constant 0 : i32
      %dma_wait3A_32 = tpu.memref_slice %arg4[%arg0, %arg1, %dma_wait3A_30, %dma_wait3A_31] : memref<2x16x125x80xi32, #tpu.memory_space<hbm>> -> memref<1x1x125x80xi32, #tpu.memory_space<hbm>>
      %dma_wait3A_33 = tpu.memref_squeeze %dma_wait3A_32 : memref<1x1x125x80xi32, #tpu.memory_space<hbm>> -> memref<125x80xi32, #tpu.memory_space<hbm>>
      tpu.wait_dma2 semaphore(%run_scoped3A : memref<!tpu.dma_semaphore, #tpu.memory_space<semaphore_mem>>) src(%dma_wait3A_33 : memref<125x80xi32, #tpu.memory_space<hbm>>) dst(%arg8 : memref<125x80xi32, #tpu.memory_space<vmem>>)
      tpu.yield
    }) : () -> ()
    %barrier3A = arith.constant 0 : index
    tpu.barrier barrier_id(%barrier3A)
    %scan3A = arith.constant 0 : i32
    %scan3A_5 = arith.constant 0 : i32
    %scan3A_6 = arith.constant 125 : i32
    %scan3A_7 = arith.addi %scan3A_5, %scan3A_6 : i32
    %scan3A_8 = arith.constant 1 : i32
    scf.for %scan3A_20 = %scan3A_5 to %scan3A_7 step %scan3A_8  : i32 {
      %dma_start3A = arith.constant 0 : i32
      %dma_start3A_21 = tpu.memref_slice %arg7[%scan3A_20, %dma_start3A] : memref<125x80xi32, #tpu.memory_space<vmem>> -> memref<1x80xi32, #tpu.memory_space<vmem>>
      %dma_start3A_22 = tpu.memref_squeeze %dma_start3A_21 : memref<1x80xi32, #tpu.memory_space<vmem>> -> memref<80xi32, #tpu.memory_space<vmem>>
      %dma_start3A_23 = arith.constant 0 : i32
      %dma_start3A_24 = arith.constant 0 : i32
      %dma_start3A_25 = tpu.memref_slice %arg2[%dma_start3A_23, %dma_start3A_24] : memref<10000x128xf32, #tpu.memory_space<hbm>> -> memref<10000x128xf32, #tpu.memory_space<hbm>>
      tpu.enqueue_indirect_dma source(%dma_start3A_25 : memref<10000x128xf32, #tpu.memory_space<hbm>>) target(%arg9 : memref<80x128xf32, #tpu.memory_space<vmem>>) offsets(%dma_start3A_22 : memref<80xi32, #tpu.memory_space<vmem>>) semaphore(%arg11 : memref<!tpu.dma_semaphore, #tpu.memory_space<semaphore_mem>>)
      %dma_wait3A = arith.constant 0 : i32
      %dma_wait3A_26 = tpu.memref_slice %arg7[%scan3A_20, %dma_wait3A] : memref<125x80xi32, #tpu.memory_space<vmem>> -> memref<1x80xi32, #tpu.memory_space<vmem>>
      %dma_wait3A_27 = tpu.memref_squeeze %dma_wait3A_26 : memref<1x80xi32, #tpu.memory_space<vmem>> -> memref<80xi32, #tpu.memory_space<vmem>>
      %dma_wait3A_28 = arith.constant 0 : i32
      %dma_wait3A_29 = arith.constant 0 : i32
      %dma_wait3A_30 = tpu.memref_slice %arg2[%dma_wait3A_28, %dma_wait3A_29] : memref<10000x128xf32, #tpu.memory_space<hbm>> -> memref<10000x128xf32, #tpu.memory_space<hbm>>
      tpu.wait_indirect_dma semaphore(%arg11 : memref<!tpu.dma_semaphore, #tpu.memory_space<semaphore_mem>>) src(%dma_wait3A_30 : memref<10000x128xf32, #tpu.memory_space<hbm>>) dst(%arg9 : memref<80x128xf32, #tpu.memory_space<vmem>>)
      "tpu.region"() ({
        %run_scoped3A = tpu.sem_alloc : memref<!tpu.dma_semaphore, #tpu.memory_space<semaphore_mem>>
        %dma_start3A_31 = arith.constant 0 : i32
        %dma_start3A_32 = tpu.memref_slice %arg8[%scan3A_20, %dma_start3A_31] : memref<125x80xi32, #tpu.memory_space<vmem>> -> memref<1x80xi32, #tpu.memory_space<vmem>>
        %dma_start3A_33 = tpu.memref_squeeze %dma_start3A_32 : memref<1x80xi32, #tpu.memory_space<vmem>> -> memref<80xi32, #tpu.memory_space<vmem>>
        %dma_start3A_34 = arith.constant 0 : i32
        %dma_start3A_35 = arith.constant 0 : i32
        %dma_start3A_36 = tpu.memref_slice %arg10[%dma_start3A_34, %dma_start3A_35] : memref<10000x128xf32, #tpu.memory_space<vmem_shared>> -> memref<10000x128xf32, #tpu.memory_space<vmem_shared>>
        tpu.enqueue_indirect_dma source(%arg9 : memref<80x128xf32, #tpu.memory_space<vmem>>) target(%dma_start3A_36 : memref<10000x128xf32, #tpu.memory_space<vmem_shared>>) offsets(%dma_start3A_33 : memref<80xi32, #tpu.memory_space<vmem>>) semaphore(%run_scoped3A : memref<!tpu.dma_semaphore, #tpu.memory_space<semaphore_mem>>) {add = true}
        %dma_wait3A_37 = arith.constant 0 : i32
        %dma_wait3A_38 = tpu.memref_slice %arg8[%scan3A_20, %dma_wait3A_37] : memref<125x80xi32, #tpu.memory_space<vmem>> -> memref<1x80xi32, #tpu.memory_space<vmem>>
        %dma_wait3A_39 = tpu.memref_squeeze %dma_wait3A_38 : memref<1x80xi32, #tpu.memory_space<vmem>> -> memref<80xi32, #tpu.memory_space<vmem>>
        %dma_wait3A_40 = arith.constant 0 : i32
        %dma_wait3A_41 = arith.constant 0 : i32
        %dma_wait3A_42 = tpu.memref_slice %arg10[%dma_wait3A_40, %dma_wait3A_41] : memref<10000x128xf32, #tpu.memory_space<vmem_shared>> -> memref<10000x128xf32, #tpu.memory_space<vmem_shared>>
        tpu.wait_indirect_dma semaphore(%run_scoped3A : memref<!tpu.dma_semaphore, #tpu.memory_space<semaphore_mem>>) src(%arg9 : memref<80x128xf32, #tpu.memory_space<vmem>>) dst(%dma_wait3A_42 : memref<10000x128xf32, #tpu.memory_space<vmem_shared>>)
        tpu.yield
      }) : () -> ()
    }
    %scan3A_9 = arith.constant 125 : i32
    %barrier3A_10 = arith.constant 0 : index
    tpu.barrier barrier_id(%barrier3A_10)
    %mul3A_11 = arith.constant 624 : i32
    %mul3A_12 = arith.muli %arg1, %mul3A_11 : i32
    %mul3A_13 = arith.constant 624 : i32
    %mul3A_14 = arith.muli %arg1, %mul3A_13 : i32
    "tpu.region"() ({
      %run_scoped3A = tpu.sem_alloc : memref<!tpu.dma_semaphore, #tpu.memory_space<semaphore_mem>>
      %dma_start3A = arith.constant 0 : i32
      %dma_start3A_20 = tpu.memref_slice %arg6[%arg0, %mul3A_14, %dma_start3A] : memref<2x10000x128xf32, #tpu.memory_space<hbm>> -> memref<1x624x128xf32, #tpu.memory_space<hbm>>
      %dma_start3A_21 = tpu.memref_squeeze %dma_start3A_20 : memref<1x624x128xf32, #tpu.memory_space<hbm>> -> memref<624x128xf32, #tpu.memory_space<hbm>>
      %dma_start3A_22 = arith.constant 0 : i32
      %dma_start3A_23 = tpu.memref_slice %arg10[%mul3A_12, %dma_start3A_22] : memref<10000x128xf32, #tpu.memory_space<vmem_shared>> -> memref<624x128xf32, #tpu.memory_space<vmem_shared>>
      tpu.enqueue_dma source(%dma_start3A_23 : memref<624x128xf32, #tpu.memory_space<vmem_shared>>) target(%dma_start3A_21 : memref<624x128xf32, #tpu.memory_space<hbm>>) target_semaphore(%run_scoped3A : memref<!tpu.dma_semaphore, #tpu.memory_space<semaphore_mem>>)
      %dma_wait3A = arith.constant 0 : i32
      %dma_wait3A_24 = tpu.memref_slice %arg6[%arg0, %mul3A_14, %dma_wait3A] : memref<2x10000x128xf32, #tpu.memory_space<hbm>> -> memref<1x624x128xf32, #tpu.memory_space<hbm>>
      %dma_wait3A_25 = tpu.memref_squeeze %dma_wait3A_24 : memref<1x624x128xf32, #tpu.memory_space<hbm>> -> memref<624x128xf32, #tpu.memory_space<hbm>>
      %dma_wait3A_26 = arith.constant 0 : i32
      %dma_wait3A_27 = tpu.memref_slice %arg10[%mul3A_12, %dma_wait3A_26] : memref<10000x128xf32, #tpu.memory_space<vmem_shared>> -> memref<624x128xf32, #tpu.memory_space<vmem_shared>>
      tpu.wait_dma2 semaphore(%run_scoped3A : memref<!tpu.dma_semaphore, #tpu.memory_space<semaphore_mem>>) src(%dma_wait3A_27 : memref<624x128xf32, #tpu.memory_space<vmem_shared>>) dst(%dma_wait3A_25 : memref<624x128xf32, #tpu.memory_space<hbm>>)
      tpu.yield
    }) : () -> ()
    %eq3A_15 = arith.constant 0 : i32
    %eq3A_16 = arith.cmpi eq, %arg1, %eq3A_15 : i32
    %convert_element_type3A_17 = arith.extui %eq3A_16 : i1 to i32
    %cond3A_18 = arith.constant 0 : i32
    %cond3A_19 = arith.cmpi ne, %convert_element_type3A_17, %cond3A_18 : i32
    scf.if %cond3A_19 {
      "tpu.region"() ({
        %run_scoped3A = tpu.sem_alloc : memref<!tpu.dma_semaphore, #tpu.memory_space<semaphore_mem>>
        %dma_start3A = arith.constant 9984 : i32
        %dma_start3A_20 = arith.constant 0 : i32
        %dma_start3A_21 = tpu.memref_slice %arg6[%arg0, %dma_start3A, %dma_start3A_20] : memref<2x10000x128xf32, #tpu.memory_space<hbm>> -> memref<1x16x128xf32, #tpu.memory_space<hbm>>
        %dma_start3A_22 = tpu.memref_squeeze %dma_start3A_21 : memref<1x16x128xf32, #tpu.memory_space<hbm>> -> memref<16x128xf32, #tpu.memory_space<hbm>>
        %dma_start3A_23 = arith.constant 9984 : i32
        %dma_start3A_24 = arith.constant 0 : i32
        %dma_start3A_25 = tpu.memref_slice %arg10[%dma_start3A_23, %dma_start3A_24] : memref<10000x128xf32, #tpu.memory_space<vmem_shared>> -> memref<16x128xf32, #tpu.memory_space<vmem_shared>>
        tpu.enqueue_dma source(%dma_start3A_25 : memref<16x128xf32, #tpu.memory_space<vmem_shared>>) target(%dma_start3A_22 : memref<16x128xf32, #tpu.memory_space<hbm>>) target_semaphore(%run_scoped3A : memref<!tpu.dma_semaphore, #tpu.memory_space<semaphore_mem>>)
        %dma_wait3A = arith.constant 9984 : i32
        %dma_wait3A_26 = arith.constant 0 : i32
        %dma_wait3A_27 = tpu.memref_slice %arg6[%arg0, %dma_wait3A, %dma_wait3A_26] : memref<2x10000x128xf32, #tpu.memory_space<hbm>> -> memref<1x16x128xf32, #tpu.memory_space<hbm>>
        %dma_wait3A_28 = tpu.memref_squeeze %dma_wait3A_27 : memref<1x16x128xf32, #tpu.memory_space<hbm>> -> memref<16x128xf32, #tpu.memory_space<hbm>>
        %dma_wait3A_29 = arith.constant 9984 : i32
        %dma_wait3A_30 = arith.constant 0 : i32
        %dma_wait3A_31 = tpu.memref_slice %arg10[%dma_wait3A_29, %dma_wait3A_30] : memref<10000x128xf32, #tpu.memory_space<vmem_shared>> -> memref<16x128xf32, #tpu.memory_space<vmem_shared>>
        tpu.wait_dma2 semaphore(%run_scoped3A : memref<!tpu.dma_semaphore, #tpu.memory_space<semaphore_mem>>) src(%dma_wait3A_31 : memref<16x128xf32, #tpu.memory_space<vmem_shared>>) dst(%dma_wait3A_28 : memref<16x128xf32, #tpu.memory_space<hbm>>)
        tpu.yield
      }) : () -> ()
    } else {
    }
    return
  }
}

#map = affine_map<(d0, d1) -> (0, 0)>
#map1 = affine_map<(d0, d1) -> (0, 0, 0, 0)>
#map2 = affine_map<(d0, d1) -> (0, 0, 0)>
module attributes {stable_mosaic.version = 14 : i64} {
  func.func @sc_agg(%arg0: i32, %arg1: i32, %arg2: memref<10000x128xf32, #tpu.memory_space<hbm>>, %arg3: memref<2x16x125x80xi32, #tpu.memory_space<hbm>>, %arg4: memref<2x16x125x80xi32, #tpu.memory_space<hbm>>, %arg5: memref<10000x128xf32, #tpu.memory_space<hbm>>, %arg6: memref<2x10000x128xf32, #tpu.memory_space<hbm>>, %arg7: memref<125x80xi32, #tpu.memory_space<vmem>>, %arg8: memref<125x80xi32, #tpu.memory_space<vmem>>, %arg9: memref<80x128xf32, #tpu.memory_space<vmem>>, %arg10: memref<10000x128xf32, #tpu.memory_space<vmem_shared>>, %arg11: memref<!tpu.dma_semaphore, #tpu.memory_space<semaphore_mem>>) attributes {dimension_semantics = [#tpu.dimension_semantics<core_parallel>, #tpu.dimension_semantics<subcore_parallel>], iteration_bounds = array<i64: 2, 16>, scalar_prefetch = 0 : i64, scratch_operands = 5 : i64, tpu.core_type = #tpu.core_type<sc_vector_subcore>, window_params = [{transform_indices = #map}, {transform_indices = #map1}, {transform_indices = #map1}, {transform_indices = #map}, {transform_indices = #map2}]} {
    %mul3A = arith.constant 624 : i32
    %mul3A_0 = arith.muli %arg1, %mul3A : i32
    %mul3A_1 = arith.constant 624 : i32
    %mul3A_2 = arith.muli %arg1, %mul3A_1 : i32
    "tpu.region"() ({
      %run_scoped3A = tpu.sem_alloc : memref<!tpu.dma_semaphore, #tpu.memory_space<semaphore_mem>>
      %dma_start3A = arith.constant 0 : i32
      %dma_start3A_20 = tpu.memref_slice %arg10[%mul3A_2, %dma_start3A] : memref<10000x128xf32, #tpu.memory_space<vmem_shared>> -> memref<624x128xf32, #tpu.memory_space<vmem_shared>>
      %dma_start3A_21 = arith.constant 0 : i32
      %dma_start3A_22 = tpu.memref_slice %arg5[%mul3A_0, %dma_start3A_21] : memref<10000x128xf32, #tpu.memory_space<hbm>> -> memref<624x128xf32, #tpu.memory_space<hbm>>
      tpu.enqueue_dma source(%dma_start3A_22 : memref<624x128xf32, #tpu.memory_space<hbm>>) target(%dma_start3A_20 : memref<624x128xf32, #tpu.memory_space<vmem_shared>>) target_semaphore(%run_scoped3A : memref<!tpu.dma_semaphore, #tpu.memory_space<semaphore_mem>>)
      %dma_wait3A = arith.constant 0 : i32
      %dma_wait3A_23 = tpu.memref_slice %arg10[%mul3A_2, %dma_wait3A] : memref<10000x128xf32, #tpu.memory_space<vmem_shared>> -> memref<624x128xf32, #tpu.memory_space<vmem_shared>>
      %dma_wait3A_24 = arith.constant 0 : i32
      %dma_wait3A_25 = tpu.memref_slice %arg5[%mul3A_0, %dma_wait3A_24] : memref<10000x128xf32, #tpu.memory_space<hbm>> -> memref<624x128xf32, #tpu.memory_space<hbm>>
      tpu.wait_dma2 semaphore(%run_scoped3A : memref<!tpu.dma_semaphore, #tpu.memory_space<semaphore_mem>>) src(%dma_wait3A_25 : memref<624x128xf32, #tpu.memory_space<hbm>>) dst(%dma_wait3A_23 : memref<624x128xf32, #tpu.memory_space<vmem_shared>>)
      tpu.yield
    }) : () -> ()
    %eq3A = arith.constant 0 : i32
    %eq3A_3 = arith.cmpi eq, %arg1, %eq3A : i32
    %convert_element_type3A = arith.extui %eq3A_3 : i1 to i32
    %cond3A = arith.constant 0 : i32
    %cond3A_4 = arith.cmpi ne, %convert_element_type3A, %cond3A : i32
    scf.if %cond3A_4 {
      "tpu.region"() ({
        %run_scoped3A = tpu.sem_alloc : memref<!tpu.dma_semaphore, #tpu.memory_space<semaphore_mem>>
        %dma_start3A = arith.constant 9984 : i32
        %dma_start3A_20 = arith.constant 0 : i32
        %dma_start3A_21 = tpu.memref_slice %arg10[%dma_start3A, %dma_start3A_20] : memref<10000x128xf32, #tpu.memory_space<vmem_shared>> -> memref<16x128xf32, #tpu.memory_space<vmem_shared>>
        %dma_start3A_22 = arith.constant 9984 : i32
        %dma_start3A_23 = arith.constant 0 : i32
        %dma_start3A_24 = tpu.memref_slice %arg5[%dma_start3A_22, %dma_start3A_23] : memref<10000x128xf32, #tpu.memory_space<hbm>> -> memref<16x128xf32, #tpu.memory_space<hbm>>
        tpu.enqueue_dma source(%dma_start3A_24 : memref<16x128xf32, #tpu.memory_space<hbm>>) target(%dma_start3A_21 : memref<16x128xf32, #tpu.memory_space<vmem_shared>>) target_semaphore(%run_scoped3A : memref<!tpu.dma_semaphore, #tpu.memory_space<semaphore_mem>>)
        %dma_wait3A = arith.constant 9984 : i32
        %dma_wait3A_25 = arith.constant 0 : i32
        %dma_wait3A_26 = tpu.memref_slice %arg10[%dma_wait3A, %dma_wait3A_25] : memref<10000x128xf32, #tpu.memory_space<vmem_shared>> -> memref<16x128xf32, #tpu.memory_space<vmem_shared>>
        %dma_wait3A_27 = arith.constant 9984 : i32
        %dma_wait3A_28 = arith.constant 0 : i32
        %dma_wait3A_29 = tpu.memref_slice %arg5[%dma_wait3A_27, %dma_wait3A_28] : memref<10000x128xf32, #tpu.memory_space<hbm>> -> memref<16x128xf32, #tpu.memory_space<hbm>>
        tpu.wait_dma2 semaphore(%run_scoped3A : memref<!tpu.dma_semaphore, #tpu.memory_space<semaphore_mem>>) src(%dma_wait3A_29 : memref<16x128xf32, #tpu.memory_space<hbm>>) dst(%dma_wait3A_26 : memref<16x128xf32, #tpu.memory_space<vmem_shared>>)
        tpu.yield
      }) : () -> ()
    } else {
    }
    "tpu.region"() ({
      %run_scoped3A = tpu.sem_alloc : memref<!tpu.dma_semaphore, #tpu.memory_space<semaphore_mem>>
      %dma_start3A = arith.constant 0 : i32
      %dma_start3A_20 = arith.constant 0 : i32
      %dma_start3A_21 = tpu.memref_slice %arg3[%arg0, %arg1, %dma_start3A, %dma_start3A_20] : memref<2x16x125x80xi32, #tpu.memory_space<hbm>> -> memref<1x1x125x80xi32, #tpu.memory_space<hbm>>
      %dma_start3A_22 = tpu.memref_squeeze %dma_start3A_21 : memref<1x1x125x80xi32, #tpu.memory_space<hbm>> -> memref<125x80xi32, #tpu.memory_space<hbm>>
      %dma_start3A_23 = arith.constant 0 : i32
      %dma_start3A_24 = arith.constant 0 : i32
      %dma_start3A_25 = tpu.memref_slice %arg3[%arg0, %arg1, %dma_start3A_23, %dma_start3A_24] : memref<2x16x125x80xi32, #tpu.memory_space<hbm>> -> memref<1x1x125x80xi32, #tpu.memory_space<hbm>>
      %dma_start3A_26 = tpu.memref_squeeze %dma_start3A_25 : memref<1x1x125x80xi32, #tpu.memory_space<hbm>> -> memref<125x80xi32, #tpu.memory_space<hbm>>
      tpu.enqueue_dma source(%dma_start3A_26 : memref<125x80xi32, #tpu.memory_space<hbm>>) target(%arg7 : memref<125x80xi32, #tpu.memory_space<vmem>>) target_semaphore(%run_scoped3A : memref<!tpu.dma_semaphore, #tpu.memory_space<semaphore_mem>>)
      %dma_wait3A = arith.constant 0 : i32
      %dma_wait3A_27 = arith.constant 0 : i32
      %dma_wait3A_28 = tpu.memref_slice %arg3[%arg0, %arg1, %dma_wait3A, %dma_wait3A_27] : memref<2x16x125x80xi32, #tpu.memory_space<hbm>> -> memref<1x1x125x80xi32, #tpu.memory_space<hbm>>
      %dma_wait3A_29 = tpu.memref_squeeze %dma_wait3A_28 : memref<1x1x125x80xi32, #tpu.memory_space<hbm>> -> memref<125x80xi32, #tpu.memory_space<hbm>>
      %dma_wait3A_30 = arith.constant 0 : i32
      %dma_wait3A_31 = arith.constant 0 : i32
      %dma_wait3A_32 = tpu.memref_slice %arg3[%arg0, %arg1, %dma_wait3A_30, %dma_wait3A_31] : memref<2x16x125x80xi32, #tpu.memory_space<hbm>> -> memref<1x1x125x80xi32, #tpu.memory_space<hbm>>
      %dma_wait3A_33 = tpu.memref_squeeze %dma_wait3A_32 : memref<1x1x125x80xi32, #tpu.memory_space<hbm>> -> memref<125x80xi32, #tpu.memory_space<hbm>>
      tpu.wait_dma2 semaphore(%run_scoped3A : memref<!tpu.dma_semaphore, #tpu.memory_space<semaphore_mem>>) src(%dma_wait3A_33 : memref<125x80xi32, #tpu.memory_space<hbm>>) dst(%arg7 : memref<125x80xi32, #tpu.memory_space<vmem>>)
      tpu.yield
    }) : () -> ()
    "tpu.region"() ({
      %run_scoped3A = tpu.sem_alloc : memref<!tpu.dma_semaphore, #tpu.memory_space<semaphore_mem>>
      %dma_start3A = arith.constant 0 : i32
      %dma_start3A_20 = arith.constant 0 : i32
      %dma_start3A_21 = tpu.memref_slice %arg4[%arg0, %arg1, %dma_start3A, %dma_start3A_20] : memref<2x16x125x80xi32, #tpu.memory_space<hbm>> -> memref<1x1x125x80xi32, #tpu.memory_space<hbm>>
      %dma_start3A_22 = tpu.memref_squeeze %dma_start3A_21 : memref<1x1x125x80xi32, #tpu.memory_space<hbm>> -> memref<125x80xi32, #tpu.memory_space<hbm>>
      %dma_start3A_23 = arith.constant 0 : i32
      %dma_start3A_24 = arith.constant 0 : i32
      %dma_start3A_25 = tpu.memref_slice %arg4[%arg0, %arg1, %dma_start3A_23, %dma_start3A_24] : memref<2x16x125x80xi32, #tpu.memory_space<hbm>> -> memref<1x1x125x80xi32, #tpu.memory_space<hbm>>
      %dma_start3A_26 = tpu.memref_squeeze %dma_start3A_25 : memref<1x1x125x80xi32, #tpu.memory_space<hbm>> -> memref<125x80xi32, #tpu.memory_space<hbm>>
      tpu.enqueue_dma source(%dma_start3A_26 : memref<125x80xi32, #tpu.memory_space<hbm>>) target(%arg8 : memref<125x80xi32, #tpu.memory_space<vmem>>) target_semaphore(%run_scoped3A : memref<!tpu.dma_semaphore, #tpu.memory_space<semaphore_mem>>)
      %dma_wait3A = arith.constant 0 : i32
      %dma_wait3A_27 = arith.constant 0 : i32
      %dma_wait3A_28 = tpu.memref_slice %arg4[%arg0, %arg1, %dma_wait3A, %dma_wait3A_27] : memref<2x16x125x80xi32, #tpu.memory_space<hbm>> -> memref<1x1x125x80xi32, #tpu.memory_space<hbm>>
      %dma_wait3A_29 = tpu.memref_squeeze %dma_wait3A_28 : memref<1x1x125x80xi32, #tpu.memory_space<hbm>> -> memref<125x80xi32, #tpu.memory_space<hbm>>
      %dma_wait3A_30 = arith.constant 0 : i32
      %dma_wait3A_31 = arith.constant 0 : i32
      %dma_wait3A_32 = tpu.memref_slice %arg4[%arg0, %arg1, %dma_wait3A_30, %dma_wait3A_31] : memref<2x16x125x80xi32, #tpu.memory_space<hbm>> -> memref<1x1x125x80xi32, #tpu.memory_space<hbm>>
      %dma_wait3A_33 = tpu.memref_squeeze %dma_wait3A_32 : memref<1x1x125x80xi32, #tpu.memory_space<hbm>> -> memref<125x80xi32, #tpu.memory_space<hbm>>
      tpu.wait_dma2 semaphore(%run_scoped3A : memref<!tpu.dma_semaphore, #tpu.memory_space<semaphore_mem>>) src(%dma_wait3A_33 : memref<125x80xi32, #tpu.memory_space<hbm>>) dst(%arg8 : memref<125x80xi32, #tpu.memory_space<vmem>>)
      tpu.yield
    }) : () -> ()
    %barrier3A = arith.constant 0 : index
    tpu.barrier barrier_id(%barrier3A)
    %scan3A = arith.constant 0 : i32
    %scan3A_5 = arith.constant 0 : i32
    %scan3A_6 = arith.constant 125 : i32
    %scan3A_7 = arith.addi %scan3A_5, %scan3A_6 : i32
    %scan3A_8 = arith.constant 1 : i32
    scf.for %scan3A_20 = %scan3A_5 to %scan3A_7 step %scan3A_8  : i32 {
      %dma_start3A = arith.constant 0 : i32
      %dma_start3A_21 = tpu.memref_slice %arg7[%scan3A_20, %dma_start3A] : memref<125x80xi32, #tpu.memory_space<vmem>> -> memref<1x80xi32, #tpu.memory_space<vmem>>
      %dma_start3A_22 = tpu.memref_squeeze %dma_start3A_21 : memref<1x80xi32, #tpu.memory_space<vmem>> -> memref<80xi32, #tpu.memory_space<vmem>>
      %dma_start3A_23 = arith.constant 0 : i32
      %dma_start3A_24 = arith.constant 0 : i32
      %dma_start3A_25 = tpu.memref_slice %arg2[%dma_start3A_23, %dma_start3A_24] : memref<10000x128xf32, #tpu.memory_space<hbm>> -> memref<10000x128xf32, #tpu.memory_space<hbm>>
      tpu.enqueue_indirect_dma source(%dma_start3A_25 : memref<10000x128xf32, #tpu.memory_space<hbm>>) target(%arg9 : memref<80x128xf32, #tpu.memory_space<vmem>>) offsets(%dma_start3A_22 : memref<80xi32, #tpu.memory_space<vmem>>) semaphore(%arg11 : memref<!tpu.dma_semaphore, #tpu.memory_space<semaphore_mem>>)
      %dma_wait3A = arith.constant 0 : i32
      %dma_wait3A_26 = tpu.memref_slice %arg7[%scan3A_20, %dma_wait3A] : memref<125x80xi32, #tpu.memory_space<vmem>> -> memref<1x80xi32, #tpu.memory_space<vmem>>
      %dma_wait3A_27 = tpu.memref_squeeze %dma_wait3A_26 : memref<1x80xi32, #tpu.memory_space<vmem>> -> memref<80xi32, #tpu.memory_space<vmem>>
      %dma_wait3A_28 = arith.constant 0 : i32
      %dma_wait3A_29 = arith.constant 0 : i32
      %dma_wait3A_30 = tpu.memref_slice %arg2[%dma_wait3A_28, %dma_wait3A_29] : memref<10000x128xf32, #tpu.memory_space<hbm>> -> memref<10000x128xf32, #tpu.memory_space<hbm>>
      tpu.wait_indirect_dma semaphore(%arg11 : memref<!tpu.dma_semaphore, #tpu.memory_space<semaphore_mem>>) src(%dma_wait3A_30 : memref<10000x128xf32, #tpu.memory_space<hbm>>) dst(%arg9 : memref<80x128xf32, #tpu.memory_space<vmem>>)
      "tpu.region"() ({
        %run_scoped3A = tpu.sem_alloc : memref<!tpu.dma_semaphore, #tpu.memory_space<semaphore_mem>>
        %dma_start3A_31 = arith.constant 0 : i32
        %dma_start3A_32 = tpu.memref_slice %arg8[%scan3A_20, %dma_start3A_31] : memref<125x80xi32, #tpu.memory_space<vmem>> -> memref<1x80xi32, #tpu.memory_space<vmem>>
        %dma_start3A_33 = tpu.memref_squeeze %dma_start3A_32 : memref<1x80xi32, #tpu.memory_space<vmem>> -> memref<80xi32, #tpu.memory_space<vmem>>
        %dma_start3A_34 = arith.constant 0 : i32
        %dma_start3A_35 = arith.constant 0 : i32
        %dma_start3A_36 = tpu.memref_slice %arg10[%dma_start3A_34, %dma_start3A_35] : memref<10000x128xf32, #tpu.memory_space<vmem_shared>> -> memref<10000x128xf32, #tpu.memory_space<vmem_shared>>
        tpu.enqueue_indirect_dma source(%arg9 : memref<80x128xf32, #tpu.memory_space<vmem>>) target(%dma_start3A_36 : memref<10000x128xf32, #tpu.memory_space<vmem_shared>>) offsets(%dma_start3A_33 : memref<80xi32, #tpu.memory_space<vmem>>) semaphore(%run_scoped3A : memref<!tpu.dma_semaphore, #tpu.memory_space<semaphore_mem>>) {add = true}
        %dma_wait3A_37 = arith.constant 0 : i32
        %dma_wait3A_38 = tpu.memref_slice %arg8[%scan3A_20, %dma_wait3A_37] : memref<125x80xi32, #tpu.memory_space<vmem>> -> memref<1x80xi32, #tpu.memory_space<vmem>>
        %dma_wait3A_39 = tpu.memref_squeeze %dma_wait3A_38 : memref<1x80xi32, #tpu.memory_space<vmem>> -> memref<80xi32, #tpu.memory_space<vmem>>
        %dma_wait3A_40 = arith.constant 0 : i32
        %dma_wait3A_41 = arith.constant 0 : i32
        %dma_wait3A_42 = tpu.memref_slice %arg10[%dma_wait3A_40, %dma_wait3A_41] : memref<10000x128xf32, #tpu.memory_space<vmem_shared>> -> memref<10000x128xf32, #tpu.memory_space<vmem_shared>>
        tpu.wait_indirect_dma semaphore(%run_scoped3A : memref<!tpu.dma_semaphore, #tpu.memory_space<semaphore_mem>>) src(%arg9 : memref<80x128xf32, #tpu.memory_space<vmem>>) dst(%dma_wait3A_42 : memref<10000x128xf32, #tpu.memory_space<vmem_shared>>)
        tpu.yield
      }) : () -> ()
    }
    %scan3A_9 = arith.constant 125 : i32
    %barrier3A_10 = arith.constant 0 : index
    tpu.barrier barrier_id(%barrier3A_10)
    %mul3A_11 = arith.constant 624 : i32
    %mul3A_12 = arith.muli %arg1, %mul3A_11 : i32
    %mul3A_13 = arith.constant 624 : i32
    %mul3A_14 = arith.muli %arg1, %mul3A_13 : i32
    "tpu.region"() ({
      %run_scoped3A = tpu.sem_alloc : memref<!tpu.dma_semaphore, #tpu.memory_space<semaphore_mem>>
      %dma_start3A = arith.constant 0 : i32
      %dma_start3A_20 = tpu.memref_slice %arg6[%arg0, %mul3A_14, %dma_start3A] : memref<2x10000x128xf32, #tpu.memory_space<hbm>> -> memref<1x624x128xf32, #tpu.memory_space<hbm>>
      %dma_start3A_21 = tpu.memref_squeeze %dma_start3A_20 : memref<1x624x128xf32, #tpu.memory_space<hbm>> -> memref<624x128xf32, #tpu.memory_space<hbm>>
      %dma_start3A_22 = arith.constant 0 : i32
      %dma_start3A_23 = tpu.memref_slice %arg10[%mul3A_12, %dma_start3A_22] : memref<10000x128xf32, #tpu.memory_space<vmem_shared>> -> memref<624x128xf32, #tpu.memory_space<vmem_shared>>
      tpu.enqueue_dma source(%dma_start3A_23 : memref<624x128xf32, #tpu.memory_space<vmem_shared>>) target(%dma_start3A_21 : memref<624x128xf32, #tpu.memory_space<hbm>>) target_semaphore(%run_scoped3A : memref<!tpu.dma_semaphore, #tpu.memory_space<semaphore_mem>>)
      %dma_wait3A = arith.constant 0 : i32
      %dma_wait3A_24 = tpu.memref_slice %arg6[%arg0, %mul3A_14, %dma_wait3A] : memref<2x10000x128xf32, #tpu.memory_space<hbm>> -> memref<1x624x128xf32, #tpu.memory_space<hbm>>
      %dma_wait3A_25 = tpu.memref_squeeze %dma_wait3A_24 : memref<1x624x128xf32, #tpu.memory_space<hbm>> -> memref<624x128xf32, #tpu.memory_space<hbm>>
      %dma_wait3A_26 = arith.constant 0 : i32
      %dma_wait3A_27 = tpu.memref_slice %arg10[%mul3A_12, %dma_wait3A_26] : memref<10000x128xf32, #tpu.memory_space<vmem_shared>> -> memref<624x128xf32, #tpu.memory_space<vmem_shared>>
      tpu.wait_dma2 semaphore(%run_scoped3A : memref<!tpu.dma_semaphore, #tpu.memory_space<semaphore_mem>>) src(%dma_wait3A_27 : memref<624x128xf32, #tpu.memory_space<vmem_shared>>) dst(%dma_wait3A_25 : memref<624x128xf32, #tpu.memory_space<hbm>>)
      tpu.yield
    }) : () -> ()
    %eq3A_15 = arith.constant 0 : i32
    %eq3A_16 = arith.cmpi eq, %arg1, %eq3A_15 : i32
    %convert_element_type3A_17 = arith.extui %eq3A_16 : i1 to i32
    %cond3A_18 = arith.constant 0 : i32
    %cond3A_19 = arith.cmpi ne, %convert_element_type3A_17, %cond3A_18 : i32
    scf.if %cond3A_19 {
      "tpu.region"() ({
        %run_scoped3A = tpu.sem_alloc : memref<!tpu.dma_semaphore, #tpu.memory_space<semaphore_mem>>
        %dma_start3A = arith.constant 9984 : i32
        %dma_start3A_20 = arith.constant 0 : i32
        %dma_start3A_21 = tpu.memref_slice %arg6[%arg0, %dma_start3A, %dma_start3A_20] : memref<2x10000x128xf32, #tpu.memory_space<hbm>> -> memref<1x16x128xf32, #tpu.memory_space<hbm>>
        %dma_start3A_22 = tpu.memref_squeeze %dma_start3A_21 : memref<1x16x128xf32, #tpu.memory_space<hbm>> -> memref<16x128xf32, #tpu.memory_space<hbm>>
        %dma_start3A_23 = arith.constant 9984 : i32
        %dma_start3A_24 = arith.constant 0 : i32
        %dma_start3A_25 = tpu.memref_slice %arg10[%dma_start3A_23, %dma_start3A_24] : memref<10000x128xf32, #tpu.memory_space<vmem_shared>> -> memref<16x128xf32, #tpu.memory_space<vmem_shared>>
        tpu.enqueue_dma source(%dma_start3A_25 : memref<16x128xf32, #tpu.memory_space<vmem_shared>>) target(%dma_start3A_22 : memref<16x128xf32, #tpu.memory_space<hbm>>) target_semaphore(%run_scoped3A : memref<!tpu.dma_semaphore, #tpu.memory_space<semaphore_mem>>)
        %dma_wait3A = arith.constant 9984 : i32
        %dma_wait3A_26 = arith.constant 0 : i32
        %dma_wait3A_27 = tpu.memref_slice %arg6[%arg0, %dma_wait3A, %dma_wait3A_26] : memref<2x10000x128xf32, #tpu.memory_space<hbm>> -> memref<1x16x128xf32, #tpu.memory_space<hbm>>
        %dma_wait3A_28 = tpu.memref_squeeze %dma_wait3A_27 : memref<1x16x128xf32, #tpu.memory_space<hbm>> -> memref<16x128xf32, #tpu.memory_space<hbm>>
        %dma_wait3A_29 = arith.constant 9984 : i32
        %dma_wait3A_30 = arith.constant 0 : i32
        %dma_wait3A_31 = tpu.memref_slice %arg10[%dma_wait3A_29, %dma_wait3A_30] : memref<10000x128xf32, #tpu.memory_space<vmem_shared>> -> memref<16x128xf32, #tpu.memory_space<vmem_shared>>
        tpu.wait_dma2 semaphore(%run_scoped3A : memref<!tpu.dma_semaphore, #tpu.memory_space<semaphore_mem>>) src(%dma_wait3A_31 : memref<16x128xf32, #tpu.memory_space<vmem_shared>>) dst(%dma_wait3A_28 : memref<16x128xf32, #tpu.memory_space<hbm>>)
        tpu.yield
      }) : () -> ()
    } else {
    }
    return
  }
}

#map = affine_map<(d0, d1) -> (0, 0)>
#map1 = affine_map<(d0, d1) -> (0, 0, 0, 0)>
#map2 = affine_map<(d0, d1) -> (0, 0, 0)>
module attributes {stable_mosaic.version = 14 : i64} {
  func.func @sc_agg(%arg0: i32, %arg1: i32, %arg2: memref<10000x128xf32, #tpu.memory_space<hbm>>, %arg3: memref<2x16x125x80xi32, #tpu.memory_space<hbm>>, %arg4: memref<2x16x125x80xi32, #tpu.memory_space<hbm>>, %arg5: memref<10000x128xf32, #tpu.memory_space<hbm>>, %arg6: memref<2x10000x128xf32, #tpu.memory_space<hbm>>, %arg7: memref<125x80xi32, #tpu.memory_space<vmem>>, %arg8: memref<125x80xi32, #tpu.memory_space<vmem>>, %arg9: memref<80x128xf32, #tpu.memory_space<vmem>>, %arg10: memref<10000x128xf32, #tpu.memory_space<vmem_shared>>, %arg11: memref<!tpu.dma_semaphore, #tpu.memory_space<semaphore_mem>>) attributes {dimension_semantics = [#tpu.dimension_semantics<core_parallel>, #tpu.dimension_semantics<subcore_parallel>], iteration_bounds = array<i64: 2, 16>, scalar_prefetch = 0 : i64, scratch_operands = 5 : i64, tpu.core_type = #tpu.core_type<sc_vector_subcore>, window_params = [{transform_indices = #map}, {transform_indices = #map1}, {transform_indices = #map1}, {transform_indices = #map}, {transform_indices = #map2}]} {
    %mul3A = arith.constant 624 : i32
    %mul3A_0 = arith.muli %arg1, %mul3A : i32
    %mul3A_1 = arith.constant 624 : i32
    %mul3A_2 = arith.muli %arg1, %mul3A_1 : i32
    "tpu.region"() ({
      %run_scoped3A = tpu.sem_alloc : memref<!tpu.dma_semaphore, #tpu.memory_space<semaphore_mem>>
      %dma_start3A = arith.constant 0 : i32
      %dma_start3A_20 = tpu.memref_slice %arg10[%mul3A_2, %dma_start3A] : memref<10000x128xf32, #tpu.memory_space<vmem_shared>> -> memref<624x128xf32, #tpu.memory_space<vmem_shared>>
      %dma_start3A_21 = arith.constant 0 : i32
      %dma_start3A_22 = tpu.memref_slice %arg5[%mul3A_0, %dma_start3A_21] : memref<10000x128xf32, #tpu.memory_space<hbm>> -> memref<624x128xf32, #tpu.memory_space<hbm>>
      tpu.enqueue_dma source(%dma_start3A_22 : memref<624x128xf32, #tpu.memory_space<hbm>>) target(%dma_start3A_20 : memref<624x128xf32, #tpu.memory_space<vmem_shared>>) target_semaphore(%run_scoped3A : memref<!tpu.dma_semaphore, #tpu.memory_space<semaphore_mem>>)
      %dma_wait3A = arith.constant 0 : i32
      %dma_wait3A_23 = tpu.memref_slice %arg10[%mul3A_2, %dma_wait3A] : memref<10000x128xf32, #tpu.memory_space<vmem_shared>> -> memref<624x128xf32, #tpu.memory_space<vmem_shared>>
      %dma_wait3A_24 = arith.constant 0 : i32
      %dma_wait3A_25 = tpu.memref_slice %arg5[%mul3A_0, %dma_wait3A_24] : memref<10000x128xf32, #tpu.memory_space<hbm>> -> memref<624x128xf32, #tpu.memory_space<hbm>>
      tpu.wait_dma2 semaphore(%run_scoped3A : memref<!tpu.dma_semaphore, #tpu.memory_space<semaphore_mem>>) src(%dma_wait3A_25 : memref<624x128xf32, #tpu.memory_space<hbm>>) dst(%dma_wait3A_23 : memref<624x128xf32, #tpu.memory_space<vmem_shared>>)
      tpu.yield
    }) : () -> ()
    %eq3A = arith.constant 0 : i32
    %eq3A_3 = arith.cmpi eq, %arg1, %eq3A : i32
    %convert_element_type3A = arith.extui %eq3A_3 : i1 to i32
    %cond3A = arith.constant 0 : i32
    %cond3A_4 = arith.cmpi ne, %convert_element_type3A, %cond3A : i32
    scf.if %cond3A_4 {
      "tpu.region"() ({
        %run_scoped3A = tpu.sem_alloc : memref<!tpu.dma_semaphore, #tpu.memory_space<semaphore_mem>>
        %dma_start3A = arith.constant 9984 : i32
        %dma_start3A_20 = arith.constant 0 : i32
        %dma_start3A_21 = tpu.memref_slice %arg10[%dma_start3A, %dma_start3A_20] : memref<10000x128xf32, #tpu.memory_space<vmem_shared>> -> memref<16x128xf32, #tpu.memory_space<vmem_shared>>
        %dma_start3A_22 = arith.constant 9984 : i32
        %dma_start3A_23 = arith.constant 0 : i32
        %dma_start3A_24 = tpu.memref_slice %arg5[%dma_start3A_22, %dma_start3A_23] : memref<10000x128xf32, #tpu.memory_space<hbm>> -> memref<16x128xf32, #tpu.memory_space<hbm>>
        tpu.enqueue_dma source(%dma_start3A_24 : memref<16x128xf32, #tpu.memory_space<hbm>>) target(%dma_start3A_21 : memref<16x128xf32, #tpu.memory_space<vmem_shared>>) target_semaphore(%run_scoped3A : memref<!tpu.dma_semaphore, #tpu.memory_space<semaphore_mem>>)
        %dma_wait3A = arith.constant 9984 : i32
        %dma_wait3A_25 = arith.constant 0 : i32
        %dma_wait3A_26 = tpu.memref_slice %arg10[%dma_wait3A, %dma_wait3A_25] : memref<10000x128xf32, #tpu.memory_space<vmem_shared>> -> memref<16x128xf32, #tpu.memory_space<vmem_shared>>
        %dma_wait3A_27 = arith.constant 9984 : i32
        %dma_wait3A_28 = arith.constant 0 : i32
        %dma_wait3A_29 = tpu.memref_slice %arg5[%dma_wait3A_27, %dma_wait3A_28] : memref<10000x128xf32, #tpu.memory_space<hbm>> -> memref<16x128xf32, #tpu.memory_space<hbm>>
        tpu.wait_dma2 semaphore(%run_scoped3A : memref<!tpu.dma_semaphore, #tpu.memory_space<semaphore_mem>>) src(%dma_wait3A_29 : memref<16x128xf32, #tpu.memory_space<hbm>>) dst(%dma_wait3A_26 : memref<16x128xf32, #tpu.memory_space<vmem_shared>>)
        tpu.yield
      }) : () -> ()
    } else {
    }
    "tpu.region"() ({
      %run_scoped3A = tpu.sem_alloc : memref<!tpu.dma_semaphore, #tpu.memory_space<semaphore_mem>>
      %dma_start3A = arith.constant 0 : i32
      %dma_start3A_20 = arith.constant 0 : i32
      %dma_start3A_21 = tpu.memref_slice %arg3[%arg0, %arg1, %dma_start3A, %dma_start3A_20] : memref<2x16x125x80xi32, #tpu.memory_space<hbm>> -> memref<1x1x125x80xi32, #tpu.memory_space<hbm>>
      %dma_start3A_22 = tpu.memref_squeeze %dma_start3A_21 : memref<1x1x125x80xi32, #tpu.memory_space<hbm>> -> memref<125x80xi32, #tpu.memory_space<hbm>>
      %dma_start3A_23 = arith.constant 0 : i32
      %dma_start3A_24 = arith.constant 0 : i32
      %dma_start3A_25 = tpu.memref_slice %arg3[%arg0, %arg1, %dma_start3A_23, %dma_start3A_24] : memref<2x16x125x80xi32, #tpu.memory_space<hbm>> -> memref<1x1x125x80xi32, #tpu.memory_space<hbm>>
      %dma_start3A_26 = tpu.memref_squeeze %dma_start3A_25 : memref<1x1x125x80xi32, #tpu.memory_space<hbm>> -> memref<125x80xi32, #tpu.memory_space<hbm>>
      tpu.enqueue_dma source(%dma_start3A_26 : memref<125x80xi32, #tpu.memory_space<hbm>>) target(%arg7 : memref<125x80xi32, #tpu.memory_space<vmem>>) target_semaphore(%run_scoped3A : memref<!tpu.dma_semaphore, #tpu.memory_space<semaphore_mem>>)
      %dma_wait3A = arith.constant 0 : i32
      %dma_wait3A_27 = arith.constant 0 : i32
      %dma_wait3A_28 = tpu.memref_slice %arg3[%arg0, %arg1, %dma_wait3A, %dma_wait3A_27] : memref<2x16x125x80xi32, #tpu.memory_space<hbm>> -> memref<1x1x125x80xi32, #tpu.memory_space<hbm>>
      %dma_wait3A_29 = tpu.memref_squeeze %dma_wait3A_28 : memref<1x1x125x80xi32, #tpu.memory_space<hbm>> -> memref<125x80xi32, #tpu.memory_space<hbm>>
      %dma_wait3A_30 = arith.constant 0 : i32
      %dma_wait3A_31 = arith.constant 0 : i32
      %dma_wait3A_32 = tpu.memref_slice %arg3[%arg0, %arg1, %dma_wait3A_30, %dma_wait3A_31] : memref<2x16x125x80xi32, #tpu.memory_space<hbm>> -> memref<1x1x125x80xi32, #tpu.memory_space<hbm>>
      %dma_wait3A_33 = tpu.memref_squeeze %dma_wait3A_32 : memref<1x1x125x80xi32, #tpu.memory_space<hbm>> -> memref<125x80xi32, #tpu.memory_space<hbm>>
      tpu.wait_dma2 semaphore(%run_scoped3A : memref<!tpu.dma_semaphore, #tpu.memory_space<semaphore_mem>>) src(%dma_wait3A_33 : memref<125x80xi32, #tpu.memory_space<hbm>>) dst(%arg7 : memref<125x80xi32, #tpu.memory_space<vmem>>)
      tpu.yield
    }) : () -> ()
    "tpu.region"() ({
      %run_scoped3A = tpu.sem_alloc : memref<!tpu.dma_semaphore, #tpu.memory_space<semaphore_mem>>
      %dma_start3A = arith.constant 0 : i32
      %dma_start3A_20 = arith.constant 0 : i32
      %dma_start3A_21 = tpu.memref_slice %arg4[%arg0, %arg1, %dma_start3A, %dma_start3A_20] : memref<2x16x125x80xi32, #tpu.memory_space<hbm>> -> memref<1x1x125x80xi32, #tpu.memory_space<hbm>>
      %dma_start3A_22 = tpu.memref_squeeze %dma_start3A_21 : memref<1x1x125x80xi32, #tpu.memory_space<hbm>> -> memref<125x80xi32, #tpu.memory_space<hbm>>
      %dma_start3A_23 = arith.constant 0 : i32
      %dma_start3A_24 = arith.constant 0 : i32
      %dma_start3A_25 = tpu.memref_slice %arg4[%arg0, %arg1, %dma_start3A_23, %dma_start3A_24] : memref<2x16x125x80xi32, #tpu.memory_space<hbm>> -> memref<1x1x125x80xi32, #tpu.memory_space<hbm>>
      %dma_start3A_26 = tpu.memref_squeeze %dma_start3A_25 : memref<1x1x125x80xi32, #tpu.memory_space<hbm>> -> memref<125x80xi32, #tpu.memory_space<hbm>>
      tpu.enqueue_dma source(%dma_start3A_26 : memref<125x80xi32, #tpu.memory_space<hbm>>) target(%arg8 : memref<125x80xi32, #tpu.memory_space<vmem>>) target_semaphore(%run_scoped3A : memref<!tpu.dma_semaphore, #tpu.memory_space<semaphore_mem>>)
      %dma_wait3A = arith.constant 0 : i32
      %dma_wait3A_27 = arith.constant 0 : i32
      %dma_wait3A_28 = tpu.memref_slice %arg4[%arg0, %arg1, %dma_wait3A, %dma_wait3A_27] : memref<2x16x125x80xi32, #tpu.memory_space<hbm>> -> memref<1x1x125x80xi32, #tpu.memory_space<hbm>>
      %dma_wait3A_29 = tpu.memref_squeeze %dma_wait3A_28 : memref<1x1x125x80xi32, #tpu.memory_space<hbm>> -> memref<125x80xi32, #tpu.memory_space<hbm>>
      %dma_wait3A_30 = arith.constant 0 : i32
      %dma_wait3A_31 = arith.constant 0 : i32
      %dma_wait3A_32 = tpu.memref_slice %arg4[%arg0, %arg1, %dma_wait3A_30, %dma_wait3A_31] : memref<2x16x125x80xi32, #tpu.memory_space<hbm>> -> memref<1x1x125x80xi32, #tpu.memory_space<hbm>>
      %dma_wait3A_33 = tpu.memref_squeeze %dma_wait3A_32 : memref<1x1x125x80xi32, #tpu.memory_space<hbm>> -> memref<125x80xi32, #tpu.memory_space<hbm>>
      tpu.wait_dma2 semaphore(%run_scoped3A : memref<!tpu.dma_semaphore, #tpu.memory_space<semaphore_mem>>) src(%dma_wait3A_33 : memref<125x80xi32, #tpu.memory_space<hbm>>) dst(%arg8 : memref<125x80xi32, #tpu.memory_space<vmem>>)
      tpu.yield
    }) : () -> ()
    %barrier3A = arith.constant 0 : index
    tpu.barrier barrier_id(%barrier3A)
    %scan3A = arith.constant 0 : i32
    %scan3A_5 = arith.constant 0 : i32
    %scan3A_6 = arith.constant 125 : i32
    %scan3A_7 = arith.addi %scan3A_5, %scan3A_6 : i32
    %scan3A_8 = arith.constant 1 : i32
    scf.for %scan3A_20 = %scan3A_5 to %scan3A_7 step %scan3A_8  : i32 {
      %dma_start3A = arith.constant 0 : i32
      %dma_start3A_21 = tpu.memref_slice %arg7[%scan3A_20, %dma_start3A] : memref<125x80xi32, #tpu.memory_space<vmem>> -> memref<1x80xi32, #tpu.memory_space<vmem>>
      %dma_start3A_22 = tpu.memref_squeeze %dma_start3A_21 : memref<1x80xi32, #tpu.memory_space<vmem>> -> memref<80xi32, #tpu.memory_space<vmem>>
      %dma_start3A_23 = arith.constant 0 : i32
      %dma_start3A_24 = arith.constant 0 : i32
      %dma_start3A_25 = tpu.memref_slice %arg2[%dma_start3A_23, %dma_start3A_24] : memref<10000x128xf32, #tpu.memory_space<hbm>> -> memref<10000x128xf32, #tpu.memory_space<hbm>>
      tpu.enqueue_indirect_dma source(%dma_start3A_25 : memref<10000x128xf32, #tpu.memory_space<hbm>>) target(%arg9 : memref<80x128xf32, #tpu.memory_space<vmem>>) offsets(%dma_start3A_22 : memref<80xi32, #tpu.memory_space<vmem>>) semaphore(%arg11 : memref<!tpu.dma_semaphore, #tpu.memory_space<semaphore_mem>>)
      %dma_wait3A = arith.constant 0 : i32
      %dma_wait3A_26 = tpu.memref_slice %arg7[%scan3A_20, %dma_wait3A] : memref<125x80xi32, #tpu.memory_space<vmem>> -> memref<1x80xi32, #tpu.memory_space<vmem>>
      %dma_wait3A_27 = tpu.memref_squeeze %dma_wait3A_26 : memref<1x80xi32, #tpu.memory_space<vmem>> -> memref<80xi32, #tpu.memory_space<vmem>>
      %dma_wait3A_28 = arith.constant 0 : i32
      %dma_wait3A_29 = arith.constant 0 : i32
      %dma_wait3A_30 = tpu.memref_slice %arg2[%dma_wait3A_28, %dma_wait3A_29] : memref<10000x128xf32, #tpu.memory_space<hbm>> -> memref<10000x128xf32, #tpu.memory_space<hbm>>
      tpu.wait_indirect_dma semaphore(%arg11 : memref<!tpu.dma_semaphore, #tpu.memory_space<semaphore_mem>>) src(%dma_wait3A_30 : memref<10000x128xf32, #tpu.memory_space<hbm>>) dst(%arg9 : memref<80x128xf32, #tpu.memory_space<vmem>>)
      "tpu.region"() ({
        %run_scoped3A = tpu.sem_alloc : memref<!tpu.dma_semaphore, #tpu.memory_space<semaphore_mem>>
        %dma_start3A_31 = arith.constant 0 : i32
        %dma_start3A_32 = tpu.memref_slice %arg8[%scan3A_20, %dma_start3A_31] : memref<125x80xi32, #tpu.memory_space<vmem>> -> memref<1x80xi32, #tpu.memory_space<vmem>>
        %dma_start3A_33 = tpu.memref_squeeze %dma_start3A_32 : memref<1x80xi32, #tpu.memory_space<vmem>> -> memref<80xi32, #tpu.memory_space<vmem>>
        %dma_start3A_34 = arith.constant 0 : i32
        %dma_start3A_35 = arith.constant 0 : i32
        %dma_start3A_36 = tpu.memref_slice %arg10[%dma_start3A_34, %dma_start3A_35] : memref<10000x128xf32, #tpu.memory_space<vmem_shared>> -> memref<10000x128xf32, #tpu.memory_space<vmem_shared>>
        tpu.enqueue_indirect_dma source(%arg9 : memref<80x128xf32, #tpu.memory_space<vmem>>) target(%dma_start3A_36 : memref<10000x128xf32, #tpu.memory_space<vmem_shared>>) offsets(%dma_start3A_33 : memref<80xi32, #tpu.memory_space<vmem>>) semaphore(%run_scoped3A : memref<!tpu.dma_semaphore, #tpu.memory_space<semaphore_mem>>) {add = true}
        %dma_wait3A_37 = arith.constant 0 : i32
        %dma_wait3A_38 = tpu.memref_slice %arg8[%scan3A_20, %dma_wait3A_37] : memref<125x80xi32, #tpu.memory_space<vmem>> -> memref<1x80xi32, #tpu.memory_space<vmem>>
        %dma_wait3A_39 = tpu.memref_squeeze %dma_wait3A_38 : memref<1x80xi32, #tpu.memory_space<vmem>> -> memref<80xi32, #tpu.memory_space<vmem>>
        %dma_wait3A_40 = arith.constant 0 : i32
        %dma_wait3A_41 = arith.constant 0 : i32
        %dma_wait3A_42 = tpu.memref_slice %arg10[%dma_wait3A_40, %dma_wait3A_41] : memref<10000x128xf32, #tpu.memory_space<vmem_shared>> -> memref<10000x128xf32, #tpu.memory_space<vmem_shared>>
        tpu.wait_indirect_dma semaphore(%run_scoped3A : memref<!tpu.dma_semaphore, #tpu.memory_space<semaphore_mem>>) src(%arg9 : memref<80x128xf32, #tpu.memory_space<vmem>>) dst(%dma_wait3A_42 : memref<10000x128xf32, #tpu.memory_space<vmem_shared>>)
        tpu.yield
      }) : () -> ()
    }
    %scan3A_9 = arith.constant 125 : i32
    %barrier3A_10 = arith.constant 0 : index
    tpu.barrier barrier_id(%barrier3A_10)
    %mul3A_11 = arith.constant 624 : i32
    %mul3A_12 = arith.muli %arg1, %mul3A_11 : i32
    %mul3A_13 = arith.constant 624 : i32
    %mul3A_14 = arith.muli %arg1, %mul3A_13 : i32
    "tpu.region"() ({
      %run_scoped3A = tpu.sem_alloc : memref<!tpu.dma_semaphore, #tpu.memory_space<semaphore_mem>>
      %dma_start3A = arith.constant 0 : i32
      %dma_start3A_20 = tpu.memref_slice %arg6[%arg0, %mul3A_14, %dma_start3A] : memref<2x10000x128xf32, #tpu.memory_space<hbm>> -> memref<1x624x128xf32, #tpu.memory_space<hbm>>
      %dma_start3A_21 = tpu.memref_squeeze %dma_start3A_20 : memref<1x624x128xf32, #tpu.memory_space<hbm>> -> memref<624x128xf32, #tpu.memory_space<hbm>>
      %dma_start3A_22 = arith.constant 0 : i32
      %dma_start3A_23 = tpu.memref_slice %arg10[%mul3A_12, %dma_start3A_22] : memref<10000x128xf32, #tpu.memory_space<vmem_shared>> -> memref<624x128xf32, #tpu.memory_space<vmem_shared>>
      tpu.enqueue_dma source(%dma_start3A_23 : memref<624x128xf32, #tpu.memory_space<vmem_shared>>) target(%dma_start3A_21 : memref<624x128xf32, #tpu.memory_space<hbm>>) target_semaphore(%run_scoped3A : memref<!tpu.dma_semaphore, #tpu.memory_space<semaphore_mem>>)
      %dma_wait3A = arith.constant 0 : i32
      %dma_wait3A_24 = tpu.memref_slice %arg6[%arg0, %mul3A_14, %dma_wait3A] : memref<2x10000x128xf32, #tpu.memory_space<hbm>> -> memref<1x624x128xf32, #tpu.memory_space<hbm>>
      %dma_wait3A_25 = tpu.memref_squeeze %dma_wait3A_24 : memref<1x624x128xf32, #tpu.memory_space<hbm>> -> memref<624x128xf32, #tpu.memory_space<hbm>>
      %dma_wait3A_26 = arith.constant 0 : i32
      %dma_wait3A_27 = tpu.memref_slice %arg10[%mul3A_12, %dma_wait3A_26] : memref<10000x128xf32, #tpu.memory_space<vmem_shared>> -> memref<624x128xf32, #tpu.memory_space<vmem_shared>>
      tpu.wait_dma2 semaphore(%run_scoped3A : memref<!tpu.dma_semaphore, #tpu.memory_space<semaphore_mem>>) src(%dma_wait3A_27 : memref<624x128xf32, #tpu.memory_space<vmem_shared>>) dst(%dma_wait3A_25 : memref<624x128xf32, #tpu.memory_space<hbm>>)
      tpu.yield
    }) : () -> ()
    %eq3A_15 = arith.constant 0 : i32
    %eq3A_16 = arith.cmpi eq, %arg1, %eq3A_15 : i32
    %convert_element_type3A_17 = arith.extui %eq3A_16 : i1 to i32
    %cond3A_18 = arith.constant 0 : i32
    %cond3A_19 = arith.cmpi ne, %convert_element_type3A_17, %cond3A_18 : i32
    scf.if %cond3A_19 {
      "tpu.region"() ({
        %run_scoped3A = tpu.sem_alloc : memref<!tpu.dma_semaphore, #tpu.memory_space<semaphore_mem>>
        %dma_start3A = arith.constant 9984 : i32
        %dma_start3A_20 = arith.constant 0 : i32
        %dma_start3A_21 = tpu.memref_slice %arg6[%arg0, %dma_start3A, %dma_start3A_20] : memref<2x10000x128xf32, #tpu.memory_space<hbm>> -> memref<1x16x128xf32, #tpu.memory_space<hbm>>
        %dma_start3A_22 = tpu.memref_squeeze %dma_start3A_21 : memref<1x16x128xf32, #tpu.memory_space<hbm>> -> memref<16x128xf32, #tpu.memory_space<hbm>>
        %dma_start3A_23 = arith.constant 9984 : i32
        %dma_start3A_24 = arith.constant 0 : i32
        %dma_start3A_25 = tpu.memref_slice %arg10[%dma_start3A_23, %dma_start3A_24] : memref<10000x128xf32, #tpu.memory_space<vmem_shared>> -> memref<16x128xf32, #tpu.memory_space<vmem_shared>>
        tpu.enqueue_dma source(%dma_start3A_25 : memref<16x128xf32, #tpu.memory_space<vmem_shared>>) target(%dma_start3A_22 : memref<16x128xf32, #tpu.memory_space<hbm>>) target_semaphore(%run_scoped3A : memref<!tpu.dma_semaphore, #tpu.memory_space<semaphore_mem>>)
        %dma_wait3A = arith.constant 9984 : i32
        %dma_wait3A_26 = arith.constant 0 : i32
        %dma_wait3A_27 = tpu.memref_slice %arg6[%arg0, %dma_wait3A, %dma_wait3A_26] : memref<2x10000x128xf32, #tpu.memory_space<hbm>> -> memref<1x16x128xf32, #tpu.memory_space<hbm>>
        %dma_wait3A_28 = tpu.memref_squeeze %dma_wait3A_27 : memref<1x16x128xf32, #tpu.memory_space<hbm>> -> memref<16x128xf32, #tpu.memory_space<hbm>>
        %dma_wait3A_29 = arith.constant 9984 : i32
        %dma_wait3A_30 = arith.constant 0 : i32
        %dma_wait3A_31 = tpu.memref_slice %arg10[%dma_wait3A_29, %dma_wait3A_30] : memref<10000x128xf32, #tpu.memory_space<vmem_shared>> -> memref<16x128xf32, #tpu.memory_space<vmem_shared>>
        tpu.wait_dma2 semaphore(%run_scoped3A : memref<!tpu.dma_semaphore, #tpu.memory_space<semaphore_mem>>) src(%dma_wait3A_31 : memref<16x128xf32, #tpu.memory_space<vmem_shared>>) dst(%dma_wait3A_28 : memref<16x128xf32, #tpu.memory_space<hbm>>)
        tpu.yield
      }) : () -> ()
    } else {
    }
    return
  }
}

module attributes {stable_mosaic.version = 14 : i64} {
  func.func @_mlp0_body(%arg0: i32, %arg1: memref<1000x128xf32, #tpu.memory_space<vmem>>, %arg2: memref<2x1000x128xf32, #tpu.memory_space<vmem>>, %arg3: memref<128x256xf32, #tpu.memory_space<vmem>>, %arg4: memref<1x256xf32, #tpu.memory_space<vmem>>, %arg5: memref<256x256xf32, #tpu.memory_space<vmem>>, %arg6: memref<1x256xf32, #tpu.memory_space<vmem>>, %arg7: memref<1x1xf32, #tpu.memory_space<vmem>>, %arg8: memref<1000x256xf32, #tpu.memory_space<vmem>>) attributes {dimension_semantics = [#tpu.dimension_semantics<arbitrary>], iteration_bounds = array<i64: 10>, scalar_prefetch = 0 : i64, scratch_operands = 0 : i64, tpu.core_type = #tpu.core_type<tc>, window_params = [{transform_indices = @transform_0, window_bounds = array<i64: 1000, 128>}, {transform_indices = @transform_1, window_bounds = array<i64: 2, 1000, 128>}, {pipeline_mode = #tpu.pipeline_mode<synchronous>, transform_indices = @transform_2, window_bounds = array<i64: 128, 256>}, {pipeline_mode = #tpu.pipeline_mode<synchronous>, transform_indices = @transform_3, window_bounds = array<i64: 1, 256>}, {pipeline_mode = #tpu.pipeline_mode<synchronous>, transform_indices = @transform_4, window_bounds = array<i64: 256, 256>}, {pipeline_mode = #tpu.pipeline_mode<synchronous>, transform_indices = @transform_5, window_bounds = array<i64: 1, 256>}, {pipeline_mode = #tpu.pipeline_mode<synchronous>, transform_indices = @transform_6, window_bounds = array<i64: 1, 1>}, {transform_indices = @transform_7, window_bounds = array<i64: 1000, 256>}]} {
    %get3A = arith.constant 0 : index
    %get3A_0 = arith.constant 0 : index
    %get3A_1 = vector.load %arg7[%get3A, %get3A_0] : memref<1x1xf32, #tpu.memory_space<vmem>>, vector<1x1xf32>
    %get3A_2 = vector.extract %get3A_1[0, 0] : f32 from vector<1x1xf32>
    %add3A = arith.constant 1.000000e+00 : f32
    %add3A_3 = arith.addf %add3A, %get3A_2 : f32
    %get3A_4 = arith.constant 0 : index
    %get3A_5 = arith.constant 0 : index
    %get3A_6 = vector.load %arg1[%get3A_4, %get3A_5] : memref<1000x128xf32, #tpu.memory_space<vmem>>, vector<1000x128xf32>
    %mul3A = vector.broadcast %add3A_3 : f32 to vector<1000x128xf32>
    %mul3A_7 = arith.mulf %mul3A, %get3A_6 : vector<1000x128xf32>
    %get3A_8 = arith.constant 0 : index
    %get3A_9 = arith.constant 0 : index
    %get3A_10 = arith.constant 0 : index
    %get3A_11 = vector.load %arg2[%get3A_8, %get3A_9, %get3A_10] : memref<2x1000x128xf32, #tpu.memory_space<vmem>>, vector<1x1000x128xf32>
    %get3A_12 = vector.shape_cast %get3A_11 : vector<1x1000x128xf32> to vector<1000x128xf32>
    %add3A_13 = arith.addf %mul3A_7, %get3A_12 : vector<1000x128xf32>
    %get3A_14 = arith.constant 1 : index
    %get3A_15 = arith.constant 0 : index
    %get3A_16 = arith.constant 0 : index
    %get3A_17 = vector.load %arg2[%get3A_14, %get3A_15, %get3A_16] : memref<2x1000x128xf32, #tpu.memory_space<vmem>>, vector<1x1000x128xf32>
    %get3A_18 = vector.shape_cast %get3A_17 : vector<1x1000x128xf32> to vector<1000x128xf32>
    %add3A_19 = arith.addf %add3A_13, %get3A_18 : vector<1000x128xf32>
    %get3A_20 = arith.constant 0 : index
    %get3A_21 = arith.constant 0 : index
    %get3A_22 = vector.load %arg3[%get3A_20, %get3A_21] : memref<128x256xf32, #tpu.memory_space<vmem>>, vector<128x256xf32>
    %dot_general3A = arith.constant dense<0.000000e+00> : vector<1000x256xf32>
    %dot_general3A_23 = tpu.matmul %add3A_19, %get3A_22, %dot_general3A {dimension_numbers = #tpu.dot_dimension_numbers<[1], [0], [0], [1], [0, 0, 1, 1], [], []>, transpose_lhs_hint = false} : vector<1000x128xf32>, vector<128x256xf32>, vector<1000x256xf32> -> vector<1000x256xf32>
    %get3A_24 = arith.constant 0 : index
    %get3A_25 = arith.constant 0 : index
    %get3A_26 = vector.load %arg4[%get3A_24, %get3A_25] : memref<1x256xf32, #tpu.memory_space<vmem>>, vector<1x256xf32>
    %add3A_27 = vector.broadcast %get3A_26 : vector<1x256xf32> to vector<1000x256xf32>
    %add3A_28 = arith.addf %dot_general3A_23, %add3A_27 : vector<1000x256xf32>
    %max3A = arith.constant 0.000000e+00 : f32
    %max3A_29 = vector.broadcast %max3A : f32 to vector<1000x256xf32>
    %max3A_30 = arith.maximumf %add3A_28, %max3A_29 : vector<1000x256xf32>
    %get3A_31 = arith.constant 0 : index
    %get3A_32 = arith.constant 0 : index
    %get3A_33 = vector.load %arg5[%get3A_31, %get3A_32] : memref<256x256xf32, #tpu.memory_space<vmem>>, vector<256x256xf32>
    %dot_general3A_34 = arith.constant dense<0.000000e+00> : vector<1000x256xf32>
    %dot_general3A_35 = tpu.matmul %max3A_30, %get3A_33, %dot_general3A_34 {dimension_numbers = #tpu.dot_dimension_numbers<[1], [0], [0], [1], [0, 0, 1, 1], [], []>, transpose_lhs_hint = false} : vector<1000x256xf32>, vector<256x256xf32>, vector<1000x256xf32> -> vector<1000x256xf32>
    %get3A_36 = arith.constant 0 : index
    %get3A_37 = arith.constant 0 : index
    %get3A_38 = vector.load %arg6[%get3A_36, %get3A_37] : memref<1x256xf32, #tpu.memory_space<vmem>>, vector<1x256xf32>
    %add3A_39 = vector.broadcast %get3A_38 : vector<1x256xf32> to vector<1000x256xf32>
    %add3A_40 = arith.addf %dot_general3A_35, %add3A_39 : vector<1000x256xf32>
    %max3A_41 = arith.constant 0.000000e+00 : f32
    %max3A_42 = vector.broadcast %max3A_41 : f32 to vector<1000x256xf32>
    %max3A_43 = arith.maximumf %add3A_40, %max3A_42 : vector<1000x256xf32>
    %swap3A = arith.constant 0 : index
    %swap3A_44 = arith.constant 0 : index
    %swap3A_45 = vector.load %arg8[%swap3A, %swap3A_44] : memref<1000x256xf32, #tpu.memory_space<vmem>>, vector<1000x256xf32>
    tpu.vector_store %arg8[%swap3A, %swap3A_44], %max3A_43 {strides = array<i32>} : memref<1000x256xf32, #tpu.memory_space<vmem>>, vector<1000x256xf32>,
    return
  }
  func.func @transform_0(%arg0: i32) -> (i32, i32) {
    %c0_i32 = arith.constant 0 : i32
    %c0_i32_0 = arith.constant 0 : i32
    return %arg0, %c0_i32 : i32, i32
  }
  func.func @transform_1(%arg0: i32) -> (i32, i32, i32) {
    %c0_i32 = arith.constant 0 : i32
    %c0_i32_0 = arith.constant 0 : i32
    %c0_i32_1 = arith.constant 0 : i32
    return %c0_i32, %arg0, %c0_i32_0 : i32, i32, i32
  }
  func.func @transform_2(%arg0: i32) -> (i32, i32) {
    %c0_i32 = arith.constant 0 : i32
    %c0_i32_0 = arith.constant 0 : i32
    %c0_i32_1 = arith.constant 0 : i32
    return %c0_i32, %c0_i32_0 : i32, i32
  }
  func.func @transform_3(%arg0: i32) -> (i32, i32) {
    %c0_i32 = arith.constant 0 : i32
    %c0_i32_0 = arith.constant 0 : i32
    %c0_i32_1 = arith.constant 0 : i32
    return %c0_i32, %c0_i32_0 : i32, i32
  }
  func.func @transform_4(%arg0: i32) -> (i32, i32) {
    %c0_i32 = arith.constant 0 : i32
    %c0_i32_0 = arith.constant 0 : i32
    %c0_i32_1 = arith.constant 0 : i32
    return %c0_i32, %c0_i32_0 : i32, i32
  }
  func.func @transform_5(%arg0: i32) -> (i32, i32) {
    %c0_i32 = arith.constant 0 : i32
    %c0_i32_0 = arith.constant 0 : i32
    %c0_i32_1 = arith.constant 0 : i32
    return %c0_i32, %c0_i32_0 : i32, i32
  }
  func.func @transform_6(%arg0: i32) -> (i32, i32) {
    %c0_i32 = arith.constant 0 : i32
    %c0_i32_0 = arith.constant 0 : i32
    %c0_i32_1 = arith.constant 0 : i32
    return %c0_i32, %c0_i32_0 : i32, i32
  }
  func.func @transform_7(%arg0: i32) -> (i32, i32) {
    %c0_i32 = arith.constant 0 : i32
    %c0_i32_0 = arith.constant 0 : i32
    return %arg0, %c0_i32 : i32, i32
  }
}

module attributes {stable_mosaic.version = 14 : i64} {
  func.func @_mlp1_pool_body(%arg0: i32, %arg1: memref<1000x256xf32, #tpu.memory_space<vmem>>, %arg2: memref<2x1000x128xf32, #tpu.memory_space<vmem>>, %arg3: memref<2x1000x128xf32, #tpu.memory_space<vmem>>, %arg4: memref<256x256xf32, #tpu.memory_space<vmem>>, %arg5: memref<1x256xf32, #tpu.memory_space<vmem>>, %arg6: memref<256x256xf32, #tpu.memory_space<vmem>>, %arg7: memref<1x256xf32, #tpu.memory_space<vmem>>, %arg8: memref<1x1xf32, #tpu.memory_space<vmem>>, %arg9: memref<1x1x1000xi32, #tpu.memory_space<vmem>>, %arg10: memref<256x10xf32, #tpu.memory_space<vmem>>, %arg11: memref<1x10xf32, #tpu.memory_space<vmem>>, %arg12: memref<64x10xf32, #tpu.memory_space<vmem>>, %arg13: memref<64x256xf32, #tpu.memory_space<vmem>>) attributes {dimension_semantics = [#tpu.dimension_semantics<arbitrary>], iteration_bounds = array<i64: 10>, scalar_prefetch = 0 : i64, scratch_operands = 1 : i64, tpu.core_type = #tpu.core_type<tc>, window_params = [{transform_indices = @transform_0, window_bounds = array<i64: 1000, 256>}, {transform_indices = @transform_1, window_bounds = array<i64: 2, 1000, 128>}, {transform_indices = @transform_2, window_bounds = array<i64: 2, 1000, 128>}, {pipeline_mode = #tpu.pipeline_mode<synchronous>, transform_indices = @transform_3, window_bounds = array<i64: 256, 256>}, {pipeline_mode = #tpu.pipeline_mode<synchronous>, transform_indices = @transform_4, window_bounds = array<i64: 1, 256>}, {pipeline_mode = #tpu.pipeline_mode<synchronous>, transform_indices = @transform_5, window_bounds = array<i64: 256, 256>}, {pipeline_mode = #tpu.pipeline_mode<synchronous>, transform_indices = @transform_6, window_bounds = array<i64: 1, 256>}, {pipeline_mode = #tpu.pipeline_mode<synchronous>, transform_indices = @transform_7, window_bounds = array<i64: 1, 1>}, {transform_indices = @transform_8, window_bounds = array<i64: 1, 1, 1000>}, {pipeline_mode = #tpu.pipeline_mode<synchronous>, transform_indices = @transform_9, window_bounds = array<i64: 256, 10>}, {pipeline_mode = #tpu.pipeline_mode<synchronous>, transform_indices = @transform_10, window_bounds = array<i64: 1, 10>}, {pipeline_mode = #tpu.pipeline_mode<synchronous>, transform_indices = @transform_11, window_bounds = array<i64: 64, 10>}]} {
    %eq3A = arith.constant 0 : i32
    %eq3A_0 = arith.cmpi eq, %arg0, %eq3A : i32
    %convert_element_type3A = arith.extui %eq3A_0 : i1 to i32
    %cond3A = arith.constant 0 : i32
    %cond3A_1 = arith.cmpi ne, %convert_element_type3A, %cond3A : i32
    scf.if %cond3A_1 {
      %broadcast_in_dim3A_79 = arith.constant 0.000000e+00 : f32
      %broadcast_in_dim3A_80 = vector.broadcast %broadcast_in_dim3A_79 : f32 to vector<64x256xf32>
      %swap3A_81 = arith.constant 0 : index
      %swap3A_82 = arith.constant 0 : index
      %swap3A_83 = vector.load %arg13[%swap3A_81, %swap3A_82] : memref<64x256xf32, #tpu.memory_space<vmem>>, vector<64x256xf32>
      tpu.vector_store %arg13[%swap3A_81, %swap3A_82], %broadcast_in_dim3A_80 {strides = array<i32>} : memref<64x256xf32, #tpu.memory_space<vmem>>, vector<64x256xf32>,
    } else {
    }
    %get3A = arith.constant 0 : index
    %get3A_2 = arith.constant 0 : index
    %get3A_3 = arith.constant 0 : index
    %get3A_4 = vector.load %arg2[%get3A, %get3A_2, %get3A_3] : memref<2x1000x128xf32, #tpu.memory_space<vmem>>, vector<1x1000x128xf32>
    %get3A_5 = vector.shape_cast %get3A_4 : vector<1x1000x128xf32> to vector<1000x128xf32>
    %get3A_6 = arith.constant 1 : index
    %get3A_7 = arith.constant 0 : index
    %get3A_8 = arith.constant 0 : index
    %get3A_9 = vector.load %arg2[%get3A_6, %get3A_7, %get3A_8] : memref<2x1000x128xf32, #tpu.memory_space<vmem>>, vector<1x1000x128xf32>
    %get3A_10 = vector.shape_cast %get3A_9 : vector<1x1000x128xf32> to vector<1000x128xf32>
    %add3A = arith.addf %get3A_5, %get3A_10 : vector<1000x128xf32>
    %get3A_11 = arith.constant 0 : index
    %get3A_12 = arith.constant 0 : index
    %get3A_13 = arith.constant 0 : index
    %get3A_14 = vector.load %arg3[%get3A_11, %get3A_12, %get3A_13] : memref<2x1000x128xf32, #tpu.memory_space<vmem>>, vector<1x1000x128xf32>
    %get3A_15 = vector.shape_cast %get3A_14 : vector<1x1000x128xf32> to vector<1000x128xf32>
    %get3A_16 = arith.constant 1 : index
    %get3A_17 = arith.constant 0 : index
    %get3A_18 = arith.constant 0 : index
    %get3A_19 = vector.load %arg3[%get3A_16, %get3A_17, %get3A_18] : memref<2x1000x128xf32, #tpu.memory_space<vmem>>, vector<1x1000x128xf32>
    %get3A_20 = vector.shape_cast %get3A_19 : vector<1x1000x128xf32> to vector<1000x128xf32>
    %add3A_21 = arith.addf %get3A_15, %get3A_20 : vector<1000x128xf32>
    %concatenate3A = tpu.concatenate %add3A, %add3A_21 in 1 : vector<1000x128xf32>, vector<1000x128xf32> -> vector<1000x256xf32>
    %get3A_22 = arith.constant 0 : index
    %get3A_23 = arith.constant 0 : index
    %get3A_24 = vector.load %arg8[%get3A_22, %get3A_23] : memref<1x1xf32, #tpu.memory_space<vmem>>, vector<1x1xf32>
    %get3A_25 = vector.extract %get3A_24[0, 0] : f32 from vector<1x1xf32>
    %add3A_26 = arith.constant 1.000000e+00 : f32
    %add3A_27 = arith.addf %add3A_26, %get3A_25 : f32
    %get3A_28 = arith.constant 0 : index
    %get3A_29 = arith.constant 0 : index
    %get3A_30 = vector.load %arg1[%get3A_28, %get3A_29] : memref<1000x256xf32, #tpu.memory_space<vmem>>, vector<1000x256xf32>
    %mul3A = vector.broadcast %add3A_27 : f32 to vector<1000x256xf32>
    %mul3A_31 = arith.mulf %mul3A, %get3A_30 : vector<1000x256xf32>
    %add3A_32 = arith.addf %mul3A_31, %concatenate3A : vector<1000x256xf32>
    %get3A_33 = arith.constant 0 : index
    %get3A_34 = arith.constant 0 : index
    %get3A_35 = vector.load %arg4[%get3A_33, %get3A_34] : memref<256x256xf32, #tpu.memory_space<vmem>>, vector<256x256xf32>
    %dot_general3A = arith.constant dense<0.000000e+00> : vector<1000x256xf32>
    %dot_general3A_36 = tpu.matmul %add3A_32, %get3A_35, %dot_general3A {dimension_numbers = #tpu.dot_dimension_numbers<[1], [0], [0], [1], [0, 0, 1, 1], [], []>, transpose_lhs_hint = false} : vector<1000x256xf32>, vector<256x256xf32>, vector<1000x256xf32> -> vector<1000x256xf32>
    %get3A_37 = arith.constant 0 : index
    %get3A_38 = arith.constant 0 : index
    %get3A_39 = vector.load %arg5[%get3A_37, %get3A_38] : memref<1x256xf32, #tpu.memory_space<vmem>>, vector<1x256xf32>
    %add3A_40 = vector.broadcast %get3A_39 : vector<1x256xf32> to vector<1000x256xf32>
    %add3A_41 = arith.addf %dot_general3A_36, %add3A_40 : vector<1000x256xf32>
    %max3A = arith.constant 0.000000e+00 : f32
    %max3A_42 = vector.broadcast %max3A : f32 to vector<1000x256xf32>
    %max3A_43 = arith.maximumf %add3A_41, %max3A_42 : vector<1000x256xf32>
    %get3A_44 = arith.constant 0 : index
    %get3A_45 = arith.constant 0 : index
    %get3A_46 = vector.load %arg6[%get3A_44, %get3A_45] : memref<256x256xf32, #tpu.memory_space<vmem>>, vector<256x256xf32>
    %dot_general3A_47 = arith.constant dense<0.000000e+00> : vector<1000x256xf32>
    %dot_general3A_48 = tpu.matmul %max3A_43, %get3A_46, %dot_general3A_47 {dimension_numbers = #tpu.dot_dimension_numbers<[1], [0], [0], [1], [0, 0, 1, 1], [], []>, transpose_lhs_hint = false} : vector<1000x256xf32>, vector<256x256xf32>, vector<1000x256xf32> -> vector<1000x256xf32>
    %get3A_49 = arith.constant 0 : index
    %get3A_50 = arith.constant 0 : index
    %get3A_51 = vector.load %arg7[%get3A_49, %get3A_50] : memref<1x256xf32, #tpu.memory_space<vmem>>, vector<1x256xf32>
    %add3A_52 = vector.broadcast %get3A_51 : vector<1x256xf32> to vector<1000x256xf32>
    %add3A_53 = arith.addf %dot_general3A_48, %add3A_52 : vector<1000x256xf32>
    %max3A_54 = arith.constant 0.000000e+00 : f32
    %max3A_55 = vector.broadcast %max3A_54 : f32 to vector<1000x256xf32>
    %max3A_56 = arith.maximumf %add3A_53, %max3A_55 : vector<1000x256xf32>
    %get3A_57 = arith.constant 0 : index
    %get3A_58 = arith.constant 0 : index
    %get3A_59 = arith.constant 0 : index
    %get3A_60 = vector.load %arg9[%get3A_57, %get3A_58, %get3A_59] : memref<1x1x1000xi32, #tpu.memory_space<vmem>>, vector<1x1x1000xi32>
    %get3A_61 = vector.shape_cast %get3A_60 : vector<1x1x1000xi32> to vector<1000xi32>
    %iota3A = tpu.iota {dimensions = array<i32: 0>} : vector<64x1000xi32>
    %broadcast_in_dim3A = vector.shape_cast %get3A_61 : vector<1000xi32> to vector<1x1000xi32>
    %eq3A_62 = vector.broadcast %broadcast_in_dim3A : vector<1x1000xi32> to vector<64x1000xi32>
    %eq3A_63 = arith.cmpi eq, %eq3A_62, %iota3A : vector<64x1000xi32>
    %convert_element_type3A_64 = arith.extui %eq3A_63 : vector<64x1000xi1> to vector<64x1000xi32>
    %convert_element_type3A_65 = arith.sitofp %convert_element_type3A_64 : vector<64x1000xi32> to vector<64x1000xf32>
    %get3A_66 = arith.constant 0 : index
    %get3A_67 = arith.constant 0 : index
    %get3A_68 = vector.load %arg13[%get3A_66, %get3A_67] : memref<64x256xf32, #tpu.memory_space<vmem>>, vector<64x256xf32>
    %dot_general3A_69 = arith.constant dense<0.000000e+00> : vector<64x256xf32>
    %dot_general3A_70 = tpu.matmul %convert_element_type3A_65, %max3A_56, %dot_general3A_69 {dimension_numbers = #tpu.dot_dimension_numbers<[1], [0], [0], [1], [0, 0, 1, 1], [], []>, transpose_lhs_hint = false} : vector<64x1000xf32>, vector<1000x256xf32>, vector<64x256xf32> -> vector<64x256xf32>
    %add3A_71 = arith.addf %get3A_68, %dot_general3A_70 : vector<64x256xf32>
    %swap3A = arith.constant 0 : index
    %swap3A_72 = arith.constant 0 : index
    %swap3A_73 = vector.load %arg13[%swap3A, %swap3A_72] : memref<64x256xf32, #tpu.memory_space<vmem>>, vector<64x256xf32>
    tpu.vector_store %arg13[%swap3A, %swap3A_72], %add3A_71 {strides = array<i32>} : memref<64x256xf32, #tpu.memory_space<vmem>>, vector<64x256xf32>,
    %eq3A_74 = arith.constant 9 : i32
    %eq3A_75 = arith.cmpi eq, %arg0, %eq3A_74 : i32
    %convert_element_type3A_76 = arith.extui %eq3A_75 : i1 to i32
    %cond3A_77 = arith.constant 0 : i32
    %cond3A_78 = arith.cmpi ne, %convert_element_type3A_76, %cond3A_77 : i32
    scf.if %cond3A_78 {
      %get3A_79 = arith.constant 0 : index
      %get3A_80 = arith.constant 0 : index
      %get3A_81 = vector.load %arg13[%get3A_79, %get3A_80] : memref<64x256xf32, #tpu.memory_space<vmem>>, vector<64x256xf32>
      %get3A_82 = arith.constant 0 : index
      %get3A_83 = arith.constant 0 : index
      %get3A_84 = vector.load %arg10[%get3A_82, %get3A_83] : memref<256x10xf32, #tpu.memory_space<vmem>>, vector<256x10xf32>
      %dot_general3A_85 = arith.constant dense<0.000000e+00> : vector<64x10xf32>
      %dot_general3A_86 = tpu.matmul %get3A_81, %get3A_84, %dot_general3A_85 {dimension_numbers = #tpu.dot_dimension_numbers<[1], [0], [0], [1], [0, 0, 1, 1], [], []>, transpose_lhs_hint = false} : vector<64x256xf32>, vector<256x10xf32>, vector<64x10xf32> -> vector<64x10xf32>
      %get3A_87 = arith.constant 0 : index
      %get3A_88 = arith.constant 0 : index
      %get3A_89 = vector.load %arg11[%get3A_87, %get3A_88] : memref<1x10xf32, #tpu.memory_space<vmem>>, vector<1x10xf32>
      %add3A_90 = vector.broadcast %get3A_89 : vector<1x10xf32> to vector<64x10xf32>
      %add3A_91 = arith.addf %dot_general3A_86, %add3A_90 : vector<64x10xf32>
      %reduce_max3A = arith.constant dense<0xFF800000> : vector<64xf32>
      %reduce_max3A_92 = vector.multi_reduction <maximumf>, %add3A_91, %reduce_max3A [1] : vector<64x10xf32> to vector<64xf32>
      %broadcast_in_dim3A_93 = vector.shape_cast %reduce_max3A_92 : vector<64xf32> to vector<64x1xf32>
      %sub3A = vector.broadcast %broadcast_in_dim3A_93 : vector<64x1xf32> to vector<64x10xf32>
      %sub3A_94 = arith.subf %add3A_91, %sub3A : vector<64x10xf32>
      %exp3A = math.exp %sub3A_94 : vector<64x10xf32>
      %reduce_sum3A = arith.constant dense<0.000000e+00> : vector<64xf32>
      %reduce_sum3A_95 = vector.multi_reduction <add>, %exp3A, %reduce_sum3A [1] : vector<64x10xf32> to vector<64xf32>
      %broadcast_in_dim3A_96 = vector.shape_cast %reduce_sum3A_95 : vector<64xf32> to vector<64x1xf32>
      %log3A = math.log %broadcast_in_dim3A_96 : vector<64x1xf32>
      %sub3A_97 = vector.broadcast %log3A : vector<64x1xf32> to vector<64x10xf32>
      %sub3A_98 = arith.subf %sub3A_94, %sub3A_97 : vector<64x10xf32>
      %swap3A_99 = arith.constant 0 : index
      %swap3A_100 = arith.constant 0 : index
      %swap3A_101 = vector.load %arg12[%swap3A_99, %swap3A_100] : memref<64x10xf32, #tpu.memory_space<vmem>>, vector<64x10xf32>
      tpu.vector_store %arg12[%swap3A_99, %swap3A_100], %sub3A_98 {strides = array<i32>} : memref<64x10xf32, #tpu.memory_space<vmem>>, vector<64x10xf32>,
    } else {
    }
    return
  }
  func.func @transform_0(%arg0: i32) -> (i32, i32) {
    %c0_i32 = arith.constant 0 : i32
    %c0_i32_0 = arith.constant 0 : i32
    return %arg0, %c0_i32 : i32, i32
  }
  func.func @transform_1(%arg0: i32) -> (i32, i32, i32) {
    %c0_i32 = arith.constant 0 : i32
    %c0_i32_0 = arith.constant 0 : i32
    %c0_i32_1 = arith.constant 0 : i32
    return %c0_i32, %arg0, %c0_i32_0 : i32, i32, i32
  }
  func.func @transform_2(%arg0: i32) -> (i32, i32, i32) {
    %c0_i32 = arith.constant 0 : i32
    %c0_i32_0 = arith.constant 0 : i32
    %c0_i32_1 = arith.constant 0 : i32
    return %c0_i32, %arg0, %c0_i32_0 : i32, i32, i32
  }
  func.func @transform_3(%arg0: i32) -> (i32, i32) {
    %c0_i32 = arith.constant 0 : i32
    %c0_i32_0 = arith.constant 0 : i32
    %c0_i32_1 = arith.constant 0 : i32
    return %c0_i32, %c0_i32_0 : i32, i32
  }
  func.func @transform_4(%arg0: i32) -> (i32, i32) {
    %c0_i32 = arith.constant 0 : i32
    %c0_i32_0 = arith.constant 0 : i32
    %c0_i32_1 = arith.constant 0 : i32
    return %c0_i32, %c0_i32_0 : i32, i32
  }
  func.func @transform_5(%arg0: i32) -> (i32, i32) {
    %c0_i32 = arith.constant 0 : i32
    %c0_i32_0 = arith.constant 0 : i32
    %c0_i32_1 = arith.constant 0 : i32
    return %c0_i32, %c0_i32_0 : i32, i32
  }
  func.func @transform_6(%arg0: i32) -> (i32, i32) {
    %c0_i32 = arith.constant 0 : i32
    %c0_i32_0 = arith.constant 0 : i32
    %c0_i32_1 = arith.constant 0 : i32
    return %c0_i32, %c0_i32_0 : i32, i32
  }
  func.func @transform_7(%arg0: i32) -> (i32, i32) {
    %c0_i32 = arith.constant 0 : i32
    %c0_i32_0 = arith.constant 0 : i32
    %c0_i32_1 = arith.constant 0 : i32
    return %c0_i32, %c0_i32_0 : i32, i32
  }
  func.func @transform_8(%arg0: i32) -> (i32, i32, i32) {
    %c0_i32 = arith.constant 0 : i32
    %c0_i32_0 = arith.constant 0 : i32
    %c0_i32_1 = arith.constant 0 : i32
    return %arg0, %c0_i32, %c0_i32_0 : i32, i32, i32
  }
  func.func @transform_9(%arg0: i32) -> (i32, i32) {
    %c0_i32 = arith.constant 0 : i32
    %c0_i32_0 = arith.constant 0 : i32
    %c0_i32_1 = arith.constant 0 : i32
    return %c0_i32, %c0_i32_0 : i32, i32
  }
  func.func @transform_10(%arg0: i32) -> (i32, i32) {
    %c0_i32 = arith.constant 0 : i32
    %c0_i32_0 = arith.constant 0 : i32
    %c0_i32_1 = arith.constant 0 : i32
    return %c0_i32, %c0_i32_0 : i32, i32
  }
  func.func @transform_11(%arg0: i32) -> (i32, i32) {
    %c0_i32 = arith.constant 0 : i32
    %c0_i32_0 = arith.constant 0 : i32
    %c0_i32_1 = arith.constant 0 : i32
    return %c0_i32, %c0_i32_0 : i32, i32
  }
}

</mosaic_0001>

<sc_bundles>
// kernel: kernel.10.cloned.1.call-start
scs
__scs_entry_jumppad:
0x0: {  	(pc) =	sbr.rel $0x88, $3  }
0x1: {  	(tag) =	ssettag $0x0;
	lr =	simm.s32 $0x1  }
0x2: {  	[smem:$0x3F92] =	sst lr;
	_ =	strace $0xD0000000  }
0x3: {  	_ = 	snop  }
0x4: {  	_ = 	snop  }
0x5: {  	_ = 	snop  }
0x6: {  	_ = 	snop  }
0x7: {  	_ = 	snop  }
__scs_overlays_trampoline_lowered:
0x8: {  	[smem:$0x3FA1] =	sst s0  }
0x9: {  	[smem:$0x3FA2] =	sst s1  }
0xa: {  	[smem:$0x3FA3] =	sst s2  }
0xb: {  	[smem:$0x3FA4] =	sst s3  }
0xc: {  	[smem:$0x3FA5] =	sst s4  }
0xd: {  	[smem:$0x3FA6] =	sst s5  }
0xe: {  	[smem:$0x3FA7] =	sst s6  }
0xf: {  	[smem:$0x3FA8] =	sst s7  }
0x10: {  	[smem:$0x3FA9] =	sst s8  }
0x11: {  	[smem:$0x3FAA] =	sst s9;
	s0 =	simm.s32 @!p0 $0x0  }
0x12: {  	s1 =	sld [smem:$0x3F90];
	s0 =	simm.s32 @p0 $0x1  }
0x13: {  	[smem:$0x3FAB] =	sst s0;
	s0 =	simm.s32 @!p1 $0x0  }
0x14: {  	s2 =	sld [smem:$0x3F8F];
	s0 =	simm.s32 @p1 $0x1  }
0x15: {  	[smem:$0x3FAC] =	sst s0;
	s0 =	simm.s32 @!p2 $0x0  }
0x16: {  	s3 =	sld [smem:$0x3FDB];
	s0 =	simm.s32 @p2 $0x1  }
0x17: {  	s4 =	simm.s32 $0x1BF5;
	[smem:$0x3FAE] =	sst s0  }
0x18: {  	s0 =	sld [smem:$0x3F91];
	_ =	swait.ge [sflag:s4], $0x0  }
0x19: {  	s7 =	sld [smem:$0x3F92]  }
0x1a: {  	s8 =	sadd.s32 $0xFFFFE003, lr  }
0x1b: {  	s9 =	sadd.s32 $0xFFFFFEF7, lr;
	s5 =	simm.s32 $0xFFFFFFFF;
	p2 =	slt.u32 s8, $0xFFFFF086  }
0x1c: {  	p1 =	slt.u32 s9, $0xF7A;
	s5 =	simm.s32 @!p2 $0x0  }
0x1d: {  	s5 =	simm.s32 @p1 $0x1;
	p0 =	seq.s32 s7, s2  }
0x1e: {  	s7 =	smul.u32 @!p0 $0xF7A, s2;
	p2 =	seq.s32 @!p0 s5, $0x0  }
0x1f: {  	s9 =	smul.u32 $0xF7A, s1;
	s8 =	simm.s32 @!p0 $0x1BF5;
	p2 =	por !p2, p0  }
0x20: {  	[sflag:s8] =	ssyncset.s32 @!p0 $0xFFFFF086;
	s6 =	sadd.s32 @!p0 s3, s7;
	s7 =	simm.s32 @!p0 $0x108  }
0x21: {  	s3 =	sadd.s32 s3, s9;
	s6 =	sadd.s32 @!p0 $0x88, s6;
	s7 =	simm.s32 @p2 $0x1082  }
0x22: {  	[simem:s7], [sflag:s8] =	dma.local @!p0 [hbm:s6], $0xF7A  }
0x23: {  	s9 =	sor.u32 $0xD0000000, s2;
	s6 =	simm.s32 $0x108;
	_ =	swait.ge @!p0 [sflag:s8], $0x0  }
0x24: {  	s3 =	sadd.s32 $0x88, s3;
	s6 =	simm.s32 @!p1 $0x1082;
	[sflag:s4] =	ssyncset.s32 $0xFFFFF086  }
0x25: {  	[simem:s6], [sflag:s4] =	dma.local [hbm:s3], $0xF7A  }
0x26: {  	[smem:$0x3F92] =	sst s1;
	(tag) =	ssettag s2;
	_ =	strace s9  }
0x27: {  	s1 =	sld [smem:$0x3FA2]  }
0x28: {  	s2 =	sld [smem:$0x3FA3]  }
0x29: {  	s4 =	sld [smem:$0x3FA5]  }
0x2a: {  	p0 =	seq.s32 s5, $0x0;
	s5 =	sld [smem:$0x3FA6]  }
0x2b: {  	s6 =	sld [smem:$0x3FA7]  }
0x2c: {  	s7 =	sld [smem:$0x3FA8]  }
0x2d: {  	s3 =	simm.s32 $0x108;
	s8 =	sld [smem:$0x3FA9]  }
0x2e: {  	s3 =	simm.s32 @!p0 $0x1082;
	s9 =	sld [smem:$0x3FAA]  }
0x2f: {  	lr =	sadd.s32 s0, s3;
	s0 =	sld [smem:$0x3FA1]  }
0x30: {  	s3 =	sld [smem:$0x3FA4]  }
0x31: {  	[smem:$0x3FAD] =	sst s10  }
0x32: {  	s10 =	sld [smem:$0x3FAB];
	_ =	sdelay $0x3  }
0x33: {  	p0 =	seq.s32 s10, $0x1;
	s10 =	sld [smem:$0x3FAD];
	_ =	sdelay $0x3  }
0x34: {  	[smem:$0x3FAD] =	sst s10  }
0x35: {  	s10 =	sld [smem:$0x3FAC];
	_ =	sdelay $0x3  }
0x36: {  	p1 =	seq.s32 s10, $0x1;
	s10 =	sld [smem:$0x3FAD];
	_ =	sdelay $0x3  }
0x37: {  	[smem:$0x3FAD] =	sst s10  }
0x38: {  	s10 =	sld [smem:$0x3FAE]  }
0x39: {  	_ = 	snop;
	(pc) =	sbr.ind lr, $3  }
0x3a: {  	_ = 	snop  }
0x3b: {  	_ = 	snop  }
0x3c: {  	p2 =	seq.s32 s10, $0x1;
	s10 =	sld [smem:$0x3FAD]  }
0x3d: {  	_ =	shalt  }
0x3e: {  	_ =	shalt  }
0x3f: {  	_ =	shalt  }
0x40: {  	_ =	shalt  }
0x41: {  	_ =	shalt  }
0x42: {  	_ =	shalt  }
0x43: {  	_ =	shalt  }
0x44: {  	_ =	shalt  }
0x45: {  	_ =	shalt  }
0x46: {  	_ =	shalt  }
0x47: {  	_ =	shalt  }
0x48: {  	_ =	shalt  }
0x49: {  	_ =	shalt  }
0x4a: {  	_ =	shalt  }
0x4b: {  	_ =	shalt  }
0x4c: {  	_ =	shalt  }
0x4d: {  	_ =	shalt  }
0x4e: {  	_ =	shalt  }
0x4f: {  	_ =	shalt  }
0x50: {  	_ =	shalt  }
0x51: {  	_ =	shalt  }
0x52: {  	_ =	shalt  }
0x53: {  	_ =	shalt  }
0x54: {  	_ =	shalt  }
0x55: {  	_ =	shalt  }
0x56: {  	_ =	shalt  }
0x57: {  	_ =	shalt  }
0x58: {  	_ =	shalt  }
0x59: {  	_ =	shalt  }
0x5a: {  	_ =	shalt  }
0x5b: {  	_ =	shalt  }
0x5c: {  	_ =	shalt  }
0x5d: {  	_ =	shalt  }
0x5e: {  	_ =	shalt  }
0x5f: {  	_ =	shalt  }
0x60: {  	_ =	shalt  }
0x61: {  	_ =	shalt  }
0x62: {  	_ =	shalt  }
0x63: {  	_ =	shalt  }
0x64: {  	_ =	shalt  }
0x65: {  	_ =	shalt  }
0x66: {  	_ =	shalt  }
0x67: {  	_ =	shalt  }
0x68: {  	_ =	shalt  }
0x69: {  	_ =	shalt  }
0x6a: {  	_ =	shalt  }
0x6b: {  	_ =	shalt  }
0x6c: {  	_ =	shalt  }
0x6d: {  	_ =	shalt  }
0x6e: {  	_ =	shalt  }
0x6f: {  	_ =	shalt  }
0x70: {  	_ =	shalt  }
0x71: {  	_ =	shalt  }
0x72: {  	_ =	shalt  }
0x73: {  	_ =	shalt  }
0x74: {  	_ =	shalt  }
0x75: {  	_ =	shalt  }
0x76: {  	_ =	shalt  }
0x77: {  	_ =	shalt  }
0x78: {  	_ =	shalt  }
0x79: {  	_ =	shalt  }
0x7a: {  	_ =	shalt  }
0x7b: {  	_ =	shalt  }
0x7c: {  	_ =	shalt  }
0x7d: {  	_ =	shalt  }
0x7e: {  	_ =	shalt  }
0x7f: {  	_ =	shalt  }
0x80: {  	_ =	shalt  }
0x81: {  	_ =	shalt  }
0x82: {  	_ =	shalt  }
0x83: {  	_ =	shalt  }
0x84: {  	_ =	shalt  }
0x85: {  	_ =	shalt  }
0x86: {  	_ =	shalt  }
0x87: {  	_ =	shalt  }
.Lfunc_end0:
.L_simem_size_0:
called_computation.1_lowered:
.L_overlay_start_0:
0x88: {  	s2 =	sld [smem:$0x3FD9]  }
0x89: {  	s3 =	sld [smem:$0x3FFE];
	_ =	sdelay $0x1  }
0x8a: {  	s1 =	srdreg.scid  }
0x8b: {  	s0 =	sand.u32 $0x1, s1  }
0x8c: {  	s17 =	sshll.u32 s0, $0xA;
	s2 =	sadd.s32 s3, s2  }
0x8d: {  	s2 =	sadd.s32 s2, s17  }
0x8e: {  	[smem:$0x3FB9] =	sst s2  }
0x8f: {  	_ = 	snop  }
0x90: {  	(tm) =	ssettm $0x1  }
0x91: {  	s18 =	sld [smem:$0x3FFB];
	_ =	sdelay $0x3  }
0x92: {  	_ =	strace s18  }
0x93: {  	s2 =	sld [smem:$0x3FFC];
	_ =	sdelay $0x3  }
0x94: {  	_ =	strace s2  }
0x95: {  	s2 =	sld [smem:$0x3FFD];
	_ =	sdelay $0x3  }
0x96: {  	_ =	strace s2  }
0x97: {  	_ =	strace $0x8FFFFFFF  }
0x98: {  	s19 =	sld [smem:$0x3FDB];
	_ =	sdelay $0x1  }
0x99: {  	s20 =	simm.s32 $_scs_section_size  }
0x9a: {  	s4 =	simm.s32 $_size__tile_overlayer_lowered;
	s5 =	simm.s32 $_tile_overlayer_lowered  }
0x9b: {  	s6 =	simm.s32 $0x1BFF;
	s21 =	sshll.u32 s5, $0x1;
	s3 =	sadd.s32 s20, s19  }
0x9c: {  	s22 =	simm.s32 $0x0;
	s4 =	sshll.u32 s4, $0x1;
	s5 =	sadd.s32 s21, s3  }
0x9d: {  	[timem:s22], [sflag:s6] =	dma.local [hbm:s5], s4  }
0x9e: {  	_ =	swait.ge [sflag:s6], s4  }
0x9f: {  	s4 =	ssub.s32 $0x0, s4;
	[sflag:s6] =	ssyncset.done $0x0  }
0xa0: {  	[sflag:s6] =	ssyncadd.s32 s4;
	_ =	sdelay $0x1  }
0xa1: {  	s23 =	simm.s32 $0x1B8B  }
0xa2: {  	_ =	swait.ge [sflag:s23], $0x1  }
0xa3: {  	[sflag:s23] =	ssyncset.done $0x0  }
0xa4: {  	[sflag:s23] =	ssyncadd.s32 $0xFFFFFFFF  }
0xa5: {  	s4 =	sld [smem:$0x0]  }
0xa6: {  	s5 =	sand.u32 $0xFFFFFFFE, s1  }
0xa7: {  	p0 =	sne.s32 s1, s5  }
0xa8: {  	s5 =	sshll.u32 @p0 s5, $0xE  }
0xa9: {  	s5 =	sadd.s32 @p0 $0x11B8D, s5;
	s6 =	sshll.u32 @p0 s4, $0x11  }
0xaa: {  	s5 =	sor.u32 @p0 s6, s5  }
0xab: {  	[sflag:s5] =	ssyncadd.remote.s32 @p0 $0x1;
	_ =	sdelay $0x1  }
0xac: {  	s5 =	simm.s32 @p0 $0x1B8D  }
0xad: {  	_ =	swait.eq @p0 [sflag:s5], $0x1  }
0xae: {  	[sflag:s5] =	ssyncadd.s32 @p0 $0xFFFFFFFF  }
0xaf: {  	s6 =	sshll.u32 @!p0 s1, $0xE  }
0xb0: {  	s6 =	sor.u32 @!p0 $0x4000, s6;
	s5 =	simm.s32 @!p0 $0x1B8D  }
0xb1: {  	s4 =	sshll.u32 @!p0 s4, $0x11;
	s6 =	sadd.s32 @!p0 $0x11B8D, s6;
	_ =	swait.eq @!p0 [sflag:s5], $0x1  }
0xb2: {  	s4 =	sor.u32 @!p0 s4, s6;
	[sflag:s5] =	ssyncadd.s32 @!p0 $0xFFFFFFFF  }
0xb3: {  	s25 =	simm.s32 $0x1B8E;
	s24 =	sld [smem:$0x3FFE];
	[sflag:s4] =	ssyncadd.remote.s32 @!p0 $0x1  }
0xb4: {  	s26 =	simm.s32 $execute0_lowered;
	[smem:$0x3FD2] =	sst s25  }
0xb5: {  	s5 =	sshll.u32 s26, $0x1;
	_ =	strace $0x8000004C;
	[dreg:$0x1] =	wrdreg $0xFFFFFFFF  }
0xb6: {  	s28 =	simm.s32 $_size_execute0_lowered;
	s3 =	sadd.s32 s3, s5;
	[dreg:$0x0] =	wrdreg $0x0  }
0xb7: {  	s5 =	sshll.u32 s28, $0x1;
	[dreg:$0x2] =	wrdreg s3  }
0xb8: {  	[dreg:$0x3] =	wrdreg s5  }
0xb9: {  	[dreg:$0x4] =	wrdreg $0xC0  }
0xba: {  	_ =	task [dreg:s22], $0x5FFFF  }
0xbb: {  	[dreg:$0x1] =	wrdreg $0xFFFFFFFF  }
0xbc: {  	[dreg:$0x0] =	wrdreg $0x60  }
0xbd: {  	[dreg:$0x2] =	wrdreg s24  }
0xbe: {  	[dreg:$0x3] =	wrdreg $0xA8000  }
0xbf: {  	[dreg:$0x4] =	wrdreg $0x9  }
0xc0: {  	_ =	task.clear_ibuf [dreg:s22], $0x5FFFF;
	_ =	strace $0x9000004C  }
0xc1: {  	s29 =	simm.s32 $0x9;
	_ =	strace $0x8000004E  }
0xc2: {  	_ =	swait.ge [sflag:s29], $0x1  }
0xc3: {  	[sflag:s29] =	ssyncadd.s32 $0xFFFFFFFF  }
0xc4: {  	_ =	strace $0x9000004E  }
0xc5: {  	_ =	sfence  }
0xc6: {  	s30 =	sld [smem:$0x0];
	_ =	sdelay $0x2  }
0xc7: {  	s31 =	sshll.u32 s1, $0xD;
	s1 =	sshrl.u32 s1, $0x2  }
0xc8: {  	s4 =	sand.u32 $0x4000, s31;
	s1 =	sadd.s32 s1, s30  }
0xc9: {  	s0 =	sor.u32 s4, s0;
	s1 =	sshll.u32 s1, $0x11  }
0xca: {  	s0 =	sor.u32 s1, s0  }
0xcb: {  	s0 =	sadd.s32 $0x8F2B, s0  }
0xcc: {  	[sflag:s0] =	ssyncadd.remote.s32 $0x1  }
0xcd: {  	_ =	sfence.sel $0xFFFF  }
0xce: {  	[dreg:$0x0] =	wrdreg $0xFFFFFFFF;
	(pc) =	sbr.abs _section_cstart, $3  }
0xcf: {  	[dreg:$0x1] =	wrdreg $0xFFFFFFFF  }
0xd0: {  	_ =	task.clear_ibuf [dreg:s22], $0x2FFFF;
	_ =	strace $0x9FFFFFFF  }
0xd1: {  	(tm) =	ssettm $0x7FFFFFFF  }
tec
execute0_lowered:
.L_overlay_start_1:
0x0: {  	(tag) =	ssettag $0x1  }
0x1: {  	s6 =	rddreg [dreg:$0x0]  }
0x2: {  	s1 =	rddreg [dreg:$0x1]  }
0x3: {  	s0 =	rddreg [dreg:$0x2]  }
0x4: {  	s2 =	simm.s32 $0x0;
	s3 =	srdreg.scid;
	s12 =	stileid.u32  }
0x5: {  	s17 =	simm.s32 $0x8000;
	s18 =	simm.s32 $0x1;
	s19 =	simm.s32 $0x0  }
0x6: {  	[smem:$0x7FF] =	sst s2;
	s5 =	sand.u32 $0x1, s3;
	s8 =	smul.u32 $0x13800, s12  }
0x7: {  	s7 =	sshll.u32 s12, $0xB;
	s3 =	sadd.s32 $0x70A00, s6;
	s26 =	smul.u32 $0x4E000, s12  }
0x8: {  	s13 =	sadd.s32 $0xE5E00, s6;
	s29 =	sshll.u32 s12, $0x6;
	s15 =	sadd.s32 $0x138000, s1  }
0x9: {  	p0 =	sne.s32 s12, $0x0;
	_ =	strace $0x8000004D;
	s4 =	sshll.u32 s5, $0xF  }
0xa: {  	s10 =	ssub.s32 $0x2, s5;
	s30 =	smul.u32 $0x138800, s5;
	s5 =	sor.u32 $0x1C02, s29  }
0xb: {  	s4 =	sor.u32 s7, s4;
	s28 =	sshrl.u32 s8, $0x3;
	s11 =	sshrl.u32 s10, $0x1  }
0xc: {  	s7 =	sshrl.u32 s26, $0x2;
	s9 =	sadd.s32 s4, s6;
	s4 =	sadd.s32 s28, s6  }
0xd: {  	s11 =	ssub.s32 s10, s11;
	s14 =	sadd.s32 s7, s1;
	s6 =	sadd.s32 $0x49600, s6  }
0xe: {  	s16 =	sadd.s32 s8, s30;
	s10 =	sshrl.u32 s30, $0x3;
	s4 =	sadd.s32 $0x22600, s4  }
0xf: {  	s7 =	sadd.s32 $0x2600, s9;
	s8 =	sadd.s32 $0x12600, s9;
	s31 =	sshrl.u32 s16, $0x3  }
0x10: {  	s10 =	sadd.s32 s13, s10;
	s11 =	smax.u32 s11, $0x1;
	s12 =	sshrl.u32 s14, $0x3  }
0x11: {  	s14 =	sshrl.u32 @!p0 s15, $0x3;
	s15 =	simm.s32 $0x4000;
	s16 =	simm.s32 $0x50  }
0x12: {  	s9 =	sadd.s32 s13, s31;
	s10 =	sadd.s32 $0x27000, s10;
	s13 =	simm.s32 $0x2  }
.LBB2_1:
0x13: {  	[spmem:s12], [sflag:s5] =	dma.local [hbm:s4], $0x2700  }
0x14: {  	_ =	swait.ge [sflag:s13], $0x2700  }
0x15: {  	[sflag:s13] =	ssyncset.done $0x0  }
0x16: {  	s20 =	simm.s32 @!p0 $0x2;
	[sflag:s13] =	ssyncadd.s32 $0xFFFFD900  }
0x17: {  	[spmem:s14], [sflag:s5] =	dma.local @!p0 [hbm:s6], $0x100  }
0x18: {  	_ =	swait.ge @!p0 [sflag:s20], $0x100  }
0x19: {  	[sflag:s20] =	ssyncset.done @!p0 $0x0  }
0x1a: {  	[sflag:s20] =	ssyncadd.s32 @!p0 $0xFFFFFF00  }
0x1b: {  	[tilespmem:s2], [sflag:$0x2] =	stream.linear.gather [hbm4b:s7+s2], $0x3E80, $0x38;
	[tilespmem:$0x1E080] =	vst v63  }
0x1c: {  	_ =	swait.ge [sflag:s13], $0x3E80  }
0x1d: {  	[sflag:s13] =	ssyncset.done $0x0  }
0x1e: {  	[sflag:s13] =	ssyncadd.s32 $0xFFFFC180  }
0x1f: {  	[tilespmem:s15], [sflag:$0x2] =	stream.linear.gather [hbm4b:s8+s2], $0x3E80, $0x38;
	[tilespmem:$0x1E080] =	vst v63  }
0x20: {  	_ =	swait.ge [sflag:s13], $0x3E80  }
0x21: {  	[sflag:s13] =	ssyncset.done $0x0  }
0x22: {  	[sflag:s13] =	ssyncadd.s32 $0xFFFFC180  }
0x23: {  	s30 =	simm.s32 $0x0;
	[bflag:$0x0] =	sbarrier.arrive $0xFFFF  }
0x24: {  	[tilespmem:s17], [sflag:$0x1] =	stream.indirect.gather [hbm4b:s3+s16], $0x80, s30, s16, $0xb8;
	[tilespmem:$0x1E080] =	vst v63  }
0x25: {  	_ =	swait.ge [sflag:s18], $0x2800  }
0x26: {  	[sflag:s18] =	ssyncset.done $0x0  }
0x27: {  	s31 =	simm.s32 $0x4000;
	[sflag:s18] =	ssyncadd.s32 $0xFFFFD800  }
0x28: {  	[spmem:s1] =	stream.indirect.scatter.add.f32 [tilespmem:s17], [sflag:$0x2], $0x80, s31, s16, $0xb8;
	[tilespmem:$0x1E080] =	vst v63  }
0x29: {  	_ =	swait.ge [sflag:s13], $0x2800  }
0x2a: {  	s21 =	simm.s32 $0x400;
	s20 =	simm.s32 $0x200;
	[sflag:s13] =	ssyncset.done $0x0  }
.LBB2_2:
0x2b: {  	s22 =	sshra.s32 s20, $0x2  }
0x2c: {  	[sflag:s13] =	ssyncadd.s32 $0xFFFFD800;
	s20 =	smov.u32 s21;
	s23 =	sadd.s32 $0x200, s21  }
0x2d: {  	[tilespmem:s17], [sflag:$0x1] =	stream.indirect.gather [hbm4b:s3+s16], $0x80, s22, s16, $0xb8;
	[tilespmem:$0x1E080] =	vst v63  }
0x2e: {  	p1 =	sne.s32 s21, $0xF800;
	_ =	swait.ge [sflag:s18], $0x2800  }
.Ltmp0:
0x2f: {  	[sflag:s18] =	ssyncset.done $0x0;
	(pc) =	sbr.rel @p1 .LBB2_2-.Ltmp0, $4  }
0x30: {  	s21 =	sadd.s32 $0x4000, s22;
	[sflag:s18] =	ssyncadd.s32 $0xFFFFD800  }
0x31: {  	[spmem:s1] =	stream.indirect.scatter.add.f32 [tilespmem:s17], [sflag:$0x2], $0x80, s21, s16, $0xb8;
	[tilespmem:$0x1E080] =	vst v63  }
0x32: {  	_ =	swait.ge [sflag:s13], $0x2800  }
0x33: {  	s21 =	smov.u32 s23;
	[sflag:s13] =	ssyncset.done $0x0  }
0x34: {  	s20 =	sshra.s32 s20, $0x2;
	[sflag:s13] =	ssyncadd.s32 $0xFFFFD800  }
0x35: {  	[tilespmem:s17], [sflag:$0x1] =	stream.indirect.gather [hbm4b:s3+s16], $0x80, s20, s16, $0xb8;
	[tilespmem:$0x1E080] =	vst v63  }
0x36: {  	_ =	swait.ge [sflag:s18], $0x2800  }
0x37: {  	[sflag:s18] =	ssyncset.done $0x0  }
0x38: {  	s20 =	sadd.s32 $0x4000, s20;
	[sflag:s18] =	ssyncadd.s32 $0xFFFFD800  }
0x39: {  	[spmem:s1] =	stream.indirect.scatter.add.f32 [tilespmem:s17], [sflag:$0x2], $0x80, s20, s16, $0xb8;
	[tilespmem:$0x1E080] =	vst v63  }
0x3a: {  	_ =	swait.ge [sflag:s13], $0x2800  }
0x3b: {  	[sflag:s13] =	ssyncset.done $0x0  }
0x3c: {  	[sflag:s13] =	ssyncadd.s32 $0xFFFFD800  }
0x3d: {  	[bflag:$0x0] =	sbarrier.arrive $0xFFFF  }
0x3e: {  	[hbm:s9], [sflag:s5] =	dma.local [spmem:s12], $0x2700  }
0x3f: {  	s19 =	sadd.s32 $0x1, s19;
	_ =	swait.ge [sflag:s13], $0x2700  }
0x40: {  	p1 =	sne.s32 s19, s11;
	[sflag:s13] =	ssyncset.done $0x0  }
.Ltmp1:
0x41: {  	s20 =	simm.s32 @!p0 $0x2;
	[sflag:s13] =	ssyncadd.s32 $0xFFFFD900;
	(pc) =	sbr.rel @p1 .LBB2_1-.Ltmp1, $4  }
0x42: {  	[hbm:s10], [sflag:s5] =	dma.local @!p0 [spmem:s14], $0x100  }
0x43: {  	_ =	swait.ge @!p0 [sflag:s20], $0x100  }
0x44: {  	[sflag:s20] =	ssyncset.done @!p0 $0x0  }
0x45: {  	[sflag:s20] =	ssyncadd.s32 @!p0 $0xFFFFFF00  }
0x46: {  	_ =	sfence.sel $0x180000  }
0x47: {  	[bflag:$0x0] =	sbarrier.arrive $0xFFFF  }
0x48: {  	_ =	strace $0x9000004D  }
0x49: {  	s0 =	sadd.s32 @!p0 $0x100000, s0;
	[bflag:$0x2] =	sbarrier.arrive $0xFFFF  }
0x4a: {  	[sflag:s0] =	ssyncadd.tile.s32 @!p0 $0x1;
	_ =	shalt  }
.Lfunc_end2:
_tile_overlayer_lowered:
.L_overlay_start_2:
0x4b: {  	(tag) =	ssettag $0x2  }
0x4c: {  	s0 =	rddreg [dreg:$0x0];
	s2 =	stileid.u32  }
0x4d: {  	s1 =	rddreg [dreg:$0x1];
	p0 =	sne.s32 s2, $0x0  }
0x4e: {  	s3 =	rddreg [dreg:$0x2];
	[bflag:$0x3] =	sbarrier.arrive $0xFFFF;
	s2 =	simm.s32 @!p0 $0x1C02  }
0x4f: {  	[timem:s3], [sflag:s2] =	dma.local @!p0 [hbm:s0], s1  }
0x50: {  	s0 =	simm.s32 @!p0 $0x2  }
0x51: {  	_ =	swait.ge @!p0 [sflag:s0], s1  }
0x52: {  	s1 =	ssub.s32 @!p0 $0x0, s1;
	[sflag:s0] =	ssyncset.done @!p0 $0x0  }
0x53: {  	[sflag:s0] =	ssyncadd.s32 @!p0 s1  }
0x54: {  	[bflag:$0x3] =	sbarrier.arrive $0xFFFF  }
0x55: {  	_ =	shalt  }

// kernel: kernel.13.cloned.1.call-start
scs
__scs_entry_jumppad:
0x0: {  	(pc) =	sbr.rel $0x88, $3  }
0x1: {  	(tag) =	ssettag $0x0;
	lr =	simm.s32 $0x1  }
0x2: {  	[smem:$0x3F92] =	sst lr;
	_ =	strace $0xD0000000  }
0x3: {  	_ = 	snop  }
0x4: {  	_ = 	snop  }
0x5: {  	_ = 	snop  }
0x6: {  	_ = 	snop  }
0x7: {  	_ = 	snop  }
__scs_overlays_trampoline_lowered:
0x8: {  	[smem:$0x3FA1] =	sst s0  }
0x9: {  	[smem:$0x3FA2] =	sst s1  }
0xa: {  	[smem:$0x3FA3] =	sst s2  }
0xb: {  	[smem:$0x3FA4] =	sst s3  }
0xc: {  	[smem:$0x3FA5] =	sst s4  }
0xd: {  	[smem:$0x3FA6] =	sst s5  }
0xe: {  	[smem:$0x3FA7] =	sst s6  }
0xf: {  	[smem:$0x3FA8] =	sst s7  }
0x10: {  	[smem:$0x3FA9] =	sst s8  }
0x11: {  	[smem:$0x3FAA] =	sst s9;
	s0 =	simm.s32 @!p0 $0x0  }
0x12: {  	s1 =	sld [smem:$0x3F90];
	s0 =	simm.s32 @p0 $0x1  }
0x13: {  	[smem:$0x3FAB] =	sst s0;
	s0 =	simm.s32 @!p1 $0x0  }
0x14: {  	s2 =	sld [smem:$0x3F8F];
	s0 =	simm.s32 @p1 $0x1  }
0x15: {  	[smem:$0x3FAC] =	sst s0;
	s0 =	simm.s32 @!p2 $0x0  }
0x16: {  	s3 =	sld [smem:$0x3FDB];
	s0 =	simm.s32 @p2 $0x1  }
0x17: {  	s4 =	simm.s32 $0x1BF5;
	[smem:$0x3FAE] =	sst s0  }
0x18: {  	s0 =	sld [smem:$0x3F91];
	_ =	swait.ge [sflag:s4], $0x0  }
0x19: {  	s7 =	sld [smem:$0x3F92]  }
0x1a: {  	s8 =	sadd.s32 $0xFFFFE003, lr  }
0x1b: {  	s9 =	sadd.s32 $0xFFFFFEF7, lr;
	s5 =	simm.s32 $0xFFFFFFFF;
	p2 =	slt.u32 s8, $0xFFFFF086  }
0x1c: {  	p1 =	slt.u32 s9, $0xF7A;
	s5 =	simm.s32 @!p2 $0x0  }
0x1d: {  	s5 =	simm.s32 @p1 $0x1;
	p0 =	seq.s32 s7, s2  }
0x1e: {  	s7 =	smul.u32 @!p0 $0xF7A, s2;
	p2 =	seq.s32 @!p0 s5, $0x0  }
0x1f: {  	s9 =	smul.u32 $0xF7A, s1;
	s8 =	simm.s32 @!p0 $0x1BF5;
	p2 =	por !p2, p0  }
0x20: {  	[sflag:s8] =	ssyncset.s32 @!p0 $0xFFFFF086;
	s6 =	sadd.s32 @!p0 s3, s7;
	s7 =	simm.s32 @!p0 $0x108  }
0x21: {  	s3 =	sadd.s32 s3, s9;
	s6 =	sadd.s32 @!p0 $0x88, s6;
	s7 =	simm.s32 @p2 $0x1082  }
0x22: {  	[simem:s7], [sflag:s8] =	dma.local @!p0 [hbm:s6], $0xF7A  }
0x23: {  	s9 =	sor.u32 $0xD0000000, s2;
	s6 =	simm.s32 $0x108;
	_ =	swait.ge @!p0 [sflag:s8], $0x0  }
0x24: {  	s3 =	sadd.s32 $0x88, s3;
	s6 =	simm.s32 @!p1 $0x1082;
	[sflag:s4] =	ssyncset.s32 $0xFFFFF086  }
0x25: {  	[simem:s6], [sflag:s4] =	dma.local [hbm:s3], $0xF7A  }
0x26: {  	[smem:$0x3F92] =	sst s1;
	(tag) =	ssettag s2;
	_ =	strace s9  }
0x27: {  	s1 =	sld [smem:$0x3FA2]  }
0x28: {  	s2 =	sld [smem:$0x3FA3]  }
0x29: {  	s4 =	sld [smem:$0x3FA5]  }
0x2a: {  	p0 =	seq.s32 s5, $0x0;
	s5 =	sld [smem:$0x3FA6]  }
0x2b: {  	s6 =	sld [smem:$0x3FA7]  }
0x2c: {  	s7 =	sld [smem:$0x3FA8]  }
0x2d: {  	s3 =	simm.s32 $0x108;
	s8 =	sld [smem:$0x3FA9]  }
0x2e: {  	s3 =	simm.s32 @!p0 $0x1082;
	s9 =	sld [smem:$0x3FAA]  }
0x2f: {  	lr =	sadd.s32 s0, s3;
	s0 =	sld [smem:$0x3FA1]  }
0x30: {  	s3 =	sld [smem:$0x3FA4]  }
0x31: {  	[smem:$0x3FAD] =	sst s10  }
0x32: {  	s10 =	sld [smem:$0x3FAB];
	_ =	sdelay $0x3  }
0x33: {  	p0 =	seq.s32 s10, $0x1;
	s10 =	sld [smem:$0x3FAD];
	_ =	sdelay $0x3  }
0x34: {  	[smem:$0x3FAD] =	sst s10  }
0x35: {  	s10 =	sld [smem:$0x3FAC];
	_ =	sdelay $0x3  }
0x36: {  	p1 =	seq.s32 s10, $0x1;
	s10 =	sld [smem:$0x3FAD];
	_ =	sdelay $0x3  }
0x37: {  	[smem:$0x3FAD] =	sst s10  }
0x38: {  	s10 =	sld [smem:$0x3FAE]  }
0x39: {  	_ = 	snop;
	(pc) =	sbr.ind lr, $3  }
0x3a: {  	_ = 	snop  }
0x3b: {  	_ = 	snop  }
0x3c: {  	p2 =	seq.s32 s10, $0x1;
	s10 =	sld [smem:$0x3FAD]  }
0x3d: {  	_ =	shalt  }
0x3e: {  	_ =	shalt  }
0x3f: {  	_ =	shalt  }
0x40: {  	_ =	shalt  }
0x41: {  	_ =	shalt  }
0x42: {  	_ =	shalt  }
0x43: {  	_ =	shalt  }
0x44: {  	_ =	shalt  }
0x45: {  	_ =	shalt  }
0x46: {  	_ =	shalt  }
0x47: {  	_ =	shalt  }
0x48: {  	_ =	shalt  }
0x49: {  	_ =	shalt  }
0x4a: {  	_ =	shalt  }
0x4b: {  	_ =	shalt  }
0x4c: {  	_ =	shalt  }
0x4d: {  	_ =	shalt  }
0x4e: {  	_ =	shalt  }
0x4f: {  	_ =	shalt  }
0x50: {  	_ =	shalt  }
0x51: {  	_ =	shalt  }
0x52: {  	_ =	shalt  }
0x53: {  	_ =	shalt  }
0x54: {  	_ =	shalt  }
0x55: {  	_ =	shalt  }
0x56: {  	_ =	shalt  }
0x57: {  	_ =	shalt  }
0x58: {  	_ =	shalt  }
0x59: {  	_ =	shalt  }
0x5a: {  	_ =	shalt  }
0x5b: {  	_ =	shalt  }
0x5c: {  	_ =	shalt  }
0x5d: {  	_ =	shalt  }
0x5e: {  	_ =	shalt  }
0x5f: {  	_ =	shalt  }
0x60: {  	_ =	shalt  }
0x61: {  	_ =	shalt  }
0x62: {  	_ =	shalt  }
0x63: {  	_ =	shalt  }
0x64: {  	_ =	shalt  }
0x65: {  	_ =	shalt  }
0x66: {  	_ =	shalt  }
0x67: {  	_ =	shalt  }
0x68: {  	_ =	shalt  }
0x69: {  	_ =	shalt  }
0x6a: {  	_ =	shalt  }
0x6b: {  	_ =	shalt  }
0x6c: {  	_ =	shalt  }
0x6d: {  	_ =	shalt  }
0x6e: {  	_ =	shalt  }
0x6f: {  	_ =	shalt  }
0x70: {  	_ =	shalt  }
0x71: {  	_ =	shalt  }
0x72: {  	_ =	shalt  }
0x73: {  	_ =	shalt  }
0x74: {  	_ =	shalt  }
0x75: {  	_ =	shalt  }
0x76: {  	_ =	shalt  }
0x77: {  	_ =	shalt  }
0x78: {  	_ =	shalt  }
0x79: {  	_ =	shalt  }
0x7a: {  	_ =	shalt  }
0x7b: {  	_ =	shalt  }
0x7c: {  	_ =	shalt  }
0x7d: {  	_ =	shalt  }
0x7e: {  	_ =	shalt  }
0x7f: {  	_ =	shalt  }
0x80: {  	_ =	shalt  }
0x81: {  	_ =	shalt  }
0x82: {  	_ =	shalt  }
0x83: {  	_ =	shalt  }
0x84: {  	_ =	shalt  }
0x85: {  	_ =	shalt  }
0x86: {  	_ =	shalt  }
0x87: {  	_ =	shalt  }
.Lfunc_end0:
.L_simem_size_0:
called_computation.2_lowered:
.L_overlay_start_0:
0x88: {  	s2 =	sld [smem:$0x3FD9]  }
0x89: {  	s3 =	sld [smem:$0x3FFE];
	_ =	sdelay $0x1  }
0x8a: {  	s1 =	srdreg.scid  }
0x8b: {  	s0 =	sand.u32 $0x1, s1  }
0x8c: {  	s16 =	sshll.u32 s0, $0xA;
	s2 =	sadd.s32 s3, s2  }
0x8d: {  	s2 =	sadd.s32 s2, s16  }
0x8e: {  	[smem:$0x3FB9] =	sst s2  }
0x8f: {  	_ = 	snop  }
0x90: {  	(tm) =	ssettm $0x1  }
0x91: {  	s17 =	sld [smem:$0x3FFB];
	_ =	sdelay $0x3  }
0x92: {  	_ =	strace s17  }
0x93: {  	s2 =	sld [smem:$0x3FFC];
	_ =	sdelay $0x3  }
0x94: {  	_ =	strace s2  }
0x95: {  	s2 =	sld [smem:$0x3FFD];
	_ =	sdelay $0x3  }
0x96: {  	_ =	strace s2  }
0x97: {  	_ =	strace $0x8FFFFFFF  }
0x98: {  	s18 =	sld [smem:$0x3FDB];
	_ =	sdelay $0x1  }
0x99: {  	s19 =	simm.s32 $_scs_section_size  }
0x9a: {  	s4 =	simm.s32 $_size__tile_overlayer_lowered;
	s5 =	simm.s32 $_tile_overlayer_lowered  }
0x9b: {  	s22 =	simm.s32 $0x1BFF;
	s21 =	sshll.u32 s5, $0x1;
	s2 =	sadd.s32 s19, s18  }
0x9c: {  	s6 =	simm.s32 $0x0;
	s20 =	sshll.u32 s4, $0x1;
	s4 =	sadd.s32 s21, s2  }
0x9d: {  	[timem:s6], [sflag:s22] =	dma.local [hbm:s4], s20  }
0x9e: {  	_ =	swait.ge [sflag:s22], s20  }
0x9f: {  	s3 =	ssub.s32 $0x0, s20;
	[sflag:s22] =	ssyncset.done $0x0  }
0xa0: {  	[sflag:s22] =	ssyncadd.s32 s3;
	_ =	sdelay $0x1  }
0xa1: {  	s23 =	simm.s32 $0x1B8B  }
0xa2: {  	_ =	swait.ge [sflag:s23], $0x1  }
0xa3: {  	[sflag:s23] =	ssyncset.done $0x0  }
0xa4: {  	s25 =	simm.s32 $0x1B8E;
	s24 =	sld [smem:$0x3FFE];
	[sflag:s23] =	ssyncadd.s32 $0xFFFFFFFF  }
0xa5: {  	s26 =	simm.s32 $execute0_lowered;
	[smem:$0x3FD2] =	sst s25  }
0xa6: {  	s4 =	sshll.u32 s26, $0x1;
	_ =	strace $0x80000049;
	[dreg:$0x1] =	wrdreg $0xFFFFFFFF  }
0xa7: {  	s28 =	simm.s32 $_size_execute0_lowered;
	s2 =	sadd.s32 s2, s4;
	[dreg:$0x0] =	wrdreg $0x0  }
0xa8: {  	s4 =	sshll.u32 s28, $0x1;
	[dreg:$0x2] =	wrdreg s2  }
0xa9: {  	[dreg:$0x3] =	wrdreg s4  }
0xaa: {  	[dreg:$0x4] =	wrdreg $0xC0  }
0xab: {  	_ =	task [dreg:s6], $0x5FFFF  }
0xac: {  	[dreg:$0x1] =	wrdreg $0xFFFFFFFF  }
0xad: {  	[dreg:$0x0] =	wrdreg $0x60  }
0xae: {  	[dreg:$0x2] =	wrdreg s24  }
0xaf: {  	[dreg:$0x3] =	wrdreg $0xA8000  }
0xb0: {  	[dreg:$0x4] =	wrdreg $0xA  }
0xb1: {  	_ =	task.clear_ibuf [dreg:s6], $0x5FFFF;
	_ =	strace $0x90000049  }
0xb2: {  	s29 =	simm.s32 $0xA;
	_ =	strace $0x8000004B  }
0xb3: {  	_ =	swait.ge [sflag:s29], $0x1  }
0xb4: {  	[sflag:s29] =	ssyncadd.s32 $0xFFFFFFFF  }
0xb5: {  	_ =	strace $0x9000004B  }
0xb6: {  	_ =	sfence  }
0xb7: {  	s30 =	sld [smem:$0x0];
	_ =	sdelay $0x2  }
0xb8: {  	s31 =	sshll.u32 s1, $0xD;
	s1 =	sshrl.u32 s1, $0x2  }
0xb9: {  	s3 =	sand.u32 $0x4000, s31;
	s1 =	sadd.s32 s1, s30  }
0xba: {  	s0 =	sor.u32 s3, s0;
	s1 =	sshll.u32 s1, $0x11  }
0xbb: {  	s0 =	sor.u32 s1, s0  }
0xbc: {  	s0 =	sadd.s32 $0x8F2B, s0  }
0xbd: {  	[sflag:s0] =	ssyncadd.remote.s32 $0x1  }
0xbe: {  	_ =	sfence.sel $0xFFFF  }
0xbf: {  	[dreg:$0x0] =	wrdreg $0xFFFFFFFF;
	(pc) =	sbr.abs _section_cstart, $3  }
0xc0: {  	[dreg:$0x1] =	wrdreg $0xFFFFFFFF  }
0xc1: {  	_ =	task.clear_ibuf [dreg:s6], $0x2FFFF;
	_ =	strace $0x9FFFFFFF  }
0xc2: {  	(tm) =	ssettm $0x7FFFFFFF  }
0xc3: {  	_ =	shalt  }
tec
execute0_lowered:
.L_overlay_start_1:
0x0: {  	(tag) =	ssettag $0x1  }
0x1: {  	s6 =	rddreg [dreg:$0x0]  }
0x2: {  	s1 =	rddreg [dreg:$0x1]  }
0x3: {  	s0 =	rddreg [dreg:$0x2]  }
0x4: {  	s2 =	simm.s32 $0x0;
	s3 =	srdreg.scid;
	s12 =	stileid.u32  }
0x5: {  	s17 =	simm.s32 $0x8000;
	s18 =	simm.s32 $0x1;
	s19 =	simm.s32 $0x0  }
0x6: {  	[smem:$0x7FF] =	sst s2;
	s5 =	sand.u32 $0x1, s3;
	s8 =	smul.u32 $0x13800, s12  }
0x7: {  	s7 =	sshll.u32 s12, $0xB;
	s3 =	sadd.s32 $0x49800, s6;
	s26 =	smul.u32 $0x4E000, s12  }
0x8: {  	s13 =	sadd.s32 $0x97C00, s6;
	s29 =	sshll.u32 s12, $0x6;
	s15 =	sadd.s32 $0x138000, s1  }
0x9: {  	p0 =	sne.s32 s12, $0x0;
	_ =	strace $0x8000004A;
	s4 =	sshll.u32 s5, $0xF  }
0xa: {  	s10 =	ssub.s32 $0x2, s5;
	s30 =	smul.u32 $0x138800, s5;
	s5 =	sor.u32 $0x1C02, s29  }
0xb: {  	s4 =	sor.u32 s7, s4;
	s28 =	sshrl.u32 s8, $0x3;
	s11 =	sshrl.u32 s10, $0x1  }
0xc: {  	s7 =	sshrl.u32 s26, $0x2;
	s9 =	sadd.s32 s4, s6;
	s4 =	sadd.s32 s28, s6  }
0xd: {  	s11 =	ssub.s32 s10, s11;
	s14 =	sadd.s32 s7, s1;
	s6 =	sadd.s32 $0x49600, s6  }
0xe: {  	s16 =	sadd.s32 s8, s30;
	s10 =	sshrl.u32 s30, $0x3;
	s4 =	sadd.s32 $0x22600, s4  }
0xf: {  	s7 =	sadd.s32 $0x2600, s9;
	s8 =	sadd.s32 $0x12600, s9;
	s31 =	sshrl.u32 s16, $0x3  }
0x10: {  	s10 =	sadd.s32 s13, s10;
	s11 =	smax.u32 s11, $0x1;
	s12 =	sshrl.u32 s14, $0x3  }
0x11: {  	s14 =	sshrl.u32 @!p0 s15, $0x3;
	s15 =	simm.s32 $0x4000;
	s16 =	simm.s32 $0x50  }
0x12: {  	s9 =	sadd.s32 s13, s31;
	s10 =	sadd.s32 $0x27000, s10;
	s13 =	simm.s32 $0x2  }
.LBB2_1:
0x13: {  	[spmem:s12], [sflag:s5] =	dma.local [hbm:s4], $0x2700  }
0x14: {  	_ =	swait.ge [sflag:s13], $0x2700  }
0x15: {  	[sflag:s13] =	ssyncset.done $0x0  }
0x16: {  	s20 =	simm.s32 @!p0 $0x2;
	[sflag:s13] =	ssyncadd.s32 $0xFFFFD900  }
0x17: {  	[spmem:s14], [sflag:s5] =	dma.local @!p0 [hbm:s6], $0x100  }
0x18: {  	_ =	swait.ge @!p0 [sflag:s20], $0x100  }
0x19: {  	[sflag:s20] =	ssyncset.done @!p0 $0x0  }
0x1a: {  	[sflag:s20] =	ssyncadd.s32 @!p0 $0xFFFFFF00  }
0x1b: {  	[tilespmem:s2], [sflag:$0x2] =	stream.linear.gather [hbm4b:s7+s2], $0x3E80, $0x38;
	[tilespmem:$0x1E080] =	vst v63  }
0x1c: {  	_ =	swait.ge [sflag:s13], $0x3E80  }
0x1d: {  	[sflag:s13] =	ssyncset.done $0x0  }
0x1e: {  	[sflag:s13] =	ssyncadd.s32 $0xFFFFC180  }
0x1f: {  	[tilespmem:s15], [sflag:$0x2] =	stream.linear.gather [hbm4b:s8+s2], $0x3E80, $0x38;
	[tilespmem:$0x1E080] =	vst v63  }
0x20: {  	_ =	swait.ge [sflag:s13], $0x3E80  }
0x21: {  	[sflag:s13] =	ssyncset.done $0x0  }
0x22: {  	[sflag:s13] =	ssyncadd.s32 $0xFFFFC180  }
0x23: {  	s30 =	simm.s32 $0x0;
	[bflag:$0x0] =	sbarrier.arrive $0xFFFF  }
0x24: {  	[tilespmem:s17], [sflag:$0x1] =	stream.indirect.gather [hbm4b:s3+s16], $0x80, s30, s16, $0xb8;
	[tilespmem:$0x1E080] =	vst v63  }
0x25: {  	_ =	swait.ge [sflag:s18], $0x2800  }
0x26: {  	[sflag:s18] =	ssyncset.done $0x0  }
0x27: {  	s31 =	simm.s32 $0x4000;
	[sflag:s18] =	ssyncadd.s32 $0xFFFFD800  }
0x28: {  	[spmem:s1] =	stream.indirect.scatter.add.f32 [tilespmem:s17], [sflag:$0x2], $0x80, s31, s16, $0xb8;
	[tilespmem:$0x1E080] =	vst v63  }
0x29: {  	_ =	swait.ge [sflag:s13], $0x2800  }
0x2a: {  	s21 =	simm.s32 $0x400;
	s20 =	simm.s32 $0x200;
	[sflag:s13] =	ssyncset.done $0x0  }
.LBB2_2:
0x2b: {  	s22 =	sshra.s32 s20, $0x2  }
0x2c: {  	[sflag:s13] =	ssyncadd.s32 $0xFFFFD800;
	s20 =	smov.u32 s21;
	s23 =	sadd.s32 $0x200, s21  }
0x2d: {  	[tilespmem:s17], [sflag:$0x1] =	stream.indirect.gather [hbm4b:s3+s16], $0x80, s22, s16, $0xb8;
	[tilespmem:$0x1E080] =	vst v63  }
0x2e: {  	p1 =	sne.s32 s21, $0xF800;
	_ =	swait.ge [sflag:s18], $0x2800  }
.Ltmp0:
0x2f: {  	[sflag:s18] =	ssyncset.done $0x0;
	(pc) =	sbr.rel @p1 .LBB2_2-.Ltmp0, $4  }
0x30: {  	s21 =	sadd.s32 $0x4000, s22;
	[sflag:s18] =	ssyncadd.s32 $0xFFFFD800  }
0x31: {  	[spmem:s1] =	stream.indirect.scatter.add.f32 [tilespmem:s17], [sflag:$0x2], $0x80, s21, s16, $0xb8;
	[tilespmem:$0x1E080] =	vst v63  }
0x32: {  	_ =	swait.ge [sflag:s13], $0x2800  }
0x33: {  	s21 =	smov.u32 s23;
	[sflag:s13] =	ssyncset.done $0x0  }
0x34: {  	s20 =	sshra.s32 s20, $0x2;
	[sflag:s13] =	ssyncadd.s32 $0xFFFFD800  }
0x35: {  	[tilespmem:s17], [sflag:$0x1] =	stream.indirect.gather [hbm4b:s3+s16], $0x80, s20, s16, $0xb8;
	[tilespmem:$0x1E080] =	vst v63  }
0x36: {  	_ =	swait.ge [sflag:s18], $0x2800  }
0x37: {  	[sflag:s18] =	ssyncset.done $0x0  }
0x38: {  	s20 =	sadd.s32 $0x4000, s20;
	[sflag:s18] =	ssyncadd.s32 $0xFFFFD800  }
0x39: {  	[spmem:s1] =	stream.indirect.scatter.add.f32 [tilespmem:s17], [sflag:$0x2], $0x80, s20, s16, $0xb8;
	[tilespmem:$0x1E080] =	vst v63  }
0x3a: {  	_ =	swait.ge [sflag:s13], $0x2800  }
0x3b: {  	[sflag:s13] =	ssyncset.done $0x0  }
0x3c: {  	[sflag:s13] =	ssyncadd.s32 $0xFFFFD800  }
0x3d: {  	[bflag:$0x0] =	sbarrier.arrive $0xFFFF  }
0x3e: {  	[hbm:s9], [sflag:s5] =	dma.local [spmem:s12], $0x2700  }
0x3f: {  	s19 =	sadd.s32 $0x1, s19;
	_ =	swait.ge [sflag:s13], $0x2700  }
0x40: {  	p1 =	sne.s32 s19, s11;
	[sflag:s13] =	ssyncset.done $0x0  }
.Ltmp1:
0x41: {  	s20 =	simm.s32 @!p0 $0x2;
	[sflag:s13] =	ssyncadd.s32 $0xFFFFD900;
	(pc) =	sbr.rel @p1 .LBB2_1-.Ltmp1, $4  }
0x42: {  	[hbm:s10], [sflag:s5] =	dma.local @!p0 [spmem:s14], $0x100  }
0x43: {  	_ =	swait.ge @!p0 [sflag:s20], $0x100  }
0x44: {  	[sflag:s20] =	ssyncset.done @!p0 $0x0  }
0x45: {  	[sflag:s20] =	ssyncadd.s32 @!p0 $0xFFFFFF00  }
0x46: {  	_ =	sfence.sel $0x180000  }
0x47: {  	[bflag:$0x0] =	sbarrier.arrive $0xFFFF  }
0x48: {  	_ =	strace $0x9000004A  }
0x49: {  	s0 =	sadd.s32 @!p0 $0x100000, s0;
	[bflag:$0x2] =	sbarrier.arrive $0xFFFF  }
0x4a: {  	[sflag:s0] =	ssyncadd.tile.s32 @!p0 $0x1;
	_ =	shalt  }
.Lfunc_end2:
_tile_overlayer_lowered:
.L_overlay_start_2:
0x4b: {  	(tag) =	ssettag $0x2  }
0x4c: {  	s0 =	rddreg [dreg:$0x0];
	s2 =	stileid.u32  }
0x4d: {  	s1 =	rddreg [dreg:$0x1];
	p0 =	sne.s32 s2, $0x0  }
0x4e: {  	s3 =	rddreg [dreg:$0x2];
	[bflag:$0x3] =	sbarrier.arrive $0xFFFF;
	s2 =	simm.s32 @!p0 $0x1C02  }
0x4f: {  	[timem:s3], [sflag:s2] =	dma.local @!p0 [hbm:s0], s1  }
0x50: {  	s0 =	simm.s32 @!p0 $0x2  }
0x51: {  	_ =	swait.ge @!p0 [sflag:s0], s1  }
0x52: {  	s1 =	ssub.s32 @!p0 $0x0, s1;
	[sflag:s0] =	ssyncset.done @!p0 $0x0  }
0x53: {  	[sflag:s0] =	ssyncadd.s32 @!p0 s1  }
0x54: {  	[bflag:$0x3] =	sbarrier.arrive $0xFFFF  }
0x55: {  	_ =	shalt  }

// kernel: kernel.7.cloned.1.call-start
scs
__scs_entry_jumppad:
0x0: {  	(pc) =	sbr.rel $0x88, $3  }
0x1: {  	(tag) =	ssettag $0x0;
	lr =	simm.s32 $0x1  }
0x2: {  	[smem:$0x3F92] =	sst lr;
	_ =	strace $0xD0000000  }
0x3: {  	_ = 	snop  }
0x4: {  	_ = 	snop  }
0x5: {  	_ = 	snop  }
0x6: {  	_ = 	snop  }
0x7: {  	_ = 	snop  }
__scs_overlays_trampoline_lowered:
0x8: {  	[smem:$0x3FA1] =	sst s0  }
0x9: {  	[smem:$0x3FA2] =	sst s1  }
0xa: {  	[smem:$0x3FA3] =	sst s2  }
0xb: {  	[smem:$0x3FA4] =	sst s3  }
0xc: {  	[smem:$0x3FA5] =	sst s4  }
0xd: {  	[smem:$0x3FA6] =	sst s5  }
0xe: {  	[smem:$0x3FA7] =	sst s6  }
0xf: {  	[smem:$0x3FA8] =	sst s7  }
0x10: {  	[smem:$0x3FA9] =	sst s8  }
0x11: {  	[smem:$0x3FAA] =	sst s9;
	s0 =	simm.s32 @!p0 $0x0  }
0x12: {  	s1 =	sld [smem:$0x3F90];
	s0 =	simm.s32 @p0 $0x1  }
0x13: {  	[smem:$0x3FAB] =	sst s0;
	s0 =	simm.s32 @!p1 $0x0  }
0x14: {  	s2 =	sld [smem:$0x3F8F];
	s0 =	simm.s32 @p1 $0x1  }
0x15: {  	[smem:$0x3FAC] =	sst s0;
	s0 =	simm.s32 @!p2 $0x0  }
0x16: {  	s3 =	sld [smem:$0x3FDB];
	s0 =	simm.s32 @p2 $0x1  }
0x17: {  	s4 =	simm.s32 $0x1BF5;
	[smem:$0x3FAE] =	sst s0  }
0x18: {  	s0 =	sld [smem:$0x3F91];
	_ =	swait.ge [sflag:s4], $0x0  }
0x19: {  	s7 =	sld [smem:$0x3F92]  }
0x1a: {  	s8 =	sadd.s32 $0xFFFFE003, lr  }
0x1b: {  	s9 =	sadd.s32 $0xFFFFFEF7, lr;
	s5 =	simm.s32 $0xFFFFFFFF;
	p2 =	slt.u32 s8, $0xFFFFF086  }
0x1c: {  	p1 =	slt.u32 s9, $0xF7A;
	s5 =	simm.s32 @!p2 $0x0  }
0x1d: {  	s5 =	simm.s32 @p1 $0x1;
	p0 =	seq.s32 s7, s2  }
0x1e: {  	s7 =	smul.u32 @!p0 $0xF7A, s2;
	p2 =	seq.s32 @!p0 s5, $0x0  }
0x1f: {  	s9 =	smul.u32 $0xF7A, s1;
	s8 =	simm.s32 @!p0 $0x1BF5;
	p2 =	por !p2, p0  }
0x20: {  	[sflag:s8] =	ssyncset.s32 @!p0 $0xFFFFF086;
	s6 =	sadd.s32 @!p0 s3, s7;
	s7 =	simm.s32 @!p0 $0x108  }
0x21: {  	s3 =	sadd.s32 s3, s9;
	s6 =	sadd.s32 @!p0 $0x88, s6;
	s7 =	simm.s32 @p2 $0x1082  }
0x22: {  	[simem:s7], [sflag:s8] =	dma.local @!p0 [hbm:s6], $0xF7A  }
0x23: {  	s9 =	sor.u32 $0xD0000000, s2;
	s6 =	simm.s32 $0x108;
	_ =	swait.ge @!p0 [sflag:s8], $0x0  }
0x24: {  	s3 =	sadd.s32 $0x88, s3;
	s6 =	simm.s32 @!p1 $0x1082;
	[sflag:s4] =	ssyncset.s32 $0xFFFFF086  }
0x25: {  	[simem:s6], [sflag:s4] =	dma.local [hbm:s3], $0xF7A  }
0x26: {  	[smem:$0x3F92] =	sst s1;
	(tag) =	ssettag s2;
	_ =	strace s9  }
0x27: {  	s1 =	sld [smem:$0x3FA2]  }
0x28: {  	s2 =	sld [smem:$0x3FA3]  }
0x29: {  	s4 =	sld [smem:$0x3FA5]  }
0x2a: {  	p0 =	seq.s32 s5, $0x0;
	s5 =	sld [smem:$0x3FA6]  }
0x2b: {  	s6 =	sld [smem:$0x3FA7]  }
0x2c: {  	s7 =	sld [smem:$0x3FA8]  }
0x2d: {  	s3 =	simm.s32 $0x108;
	s8 =	sld [smem:$0x3FA9]  }
0x2e: {  	s3 =	simm.s32 @!p0 $0x1082;
	s9 =	sld [smem:$0x3FAA]  }
0x2f: {  	lr =	sadd.s32 s0, s3;
	s0 =	sld [smem:$0x3FA1]  }
0x30: {  	s3 =	sld [smem:$0x3FA4]  }
0x31: {  	[smem:$0x3FAD] =	sst s10  }
0x32: {  	s10 =	sld [smem:$0x3FAB];
	_ =	sdelay $0x3  }
0x33: {  	p0 =	seq.s32 s10, $0x1;
	s10 =	sld [smem:$0x3FAD];
	_ =	sdelay $0x3  }
0x34: {  	[smem:$0x3FAD] =	sst s10  }
0x35: {  	s10 =	sld [smem:$0x3FAC];
	_ =	sdelay $0x3  }
0x36: {  	p1 =	seq.s32 s10, $0x1;
	s10 =	sld [smem:$0x3FAD];
	_ =	sdelay $0x3  }
0x37: {  	[smem:$0x3FAD] =	sst s10  }
0x38: {  	s10 =	sld [smem:$0x3FAE]  }
0x39: {  	_ = 	snop;
	(pc) =	sbr.ind lr, $3  }
0x3a: {  	_ = 	snop  }
0x3b: {  	_ = 	snop  }
0x3c: {  	p2 =	seq.s32 s10, $0x1;
	s10 =	sld [smem:$0x3FAD]  }
0x3d: {  	_ =	shalt  }
0x3e: {  	_ =	shalt  }
0x3f: {  	_ =	shalt  }
0x40: {  	_ =	shalt  }
0x41: {  	_ =	shalt  }
0x42: {  	_ =	shalt  }
0x43: {  	_ =	shalt  }
0x44: {  	_ =	shalt  }
0x45: {  	_ =	shalt  }
0x46: {  	_ =	shalt  }
0x47: {  	_ =	shalt  }
0x48: {  	_ =	shalt  }
0x49: {  	_ =	shalt  }
0x4a: {  	_ =	shalt  }
0x4b: {  	_ =	shalt  }
0x4c: {  	_ =	shalt  }
0x4d: {  	_ =	shalt  }
0x4e: {  	_ =	shalt  }
0x4f: {  	_ =	shalt  }
0x50: {  	_ =	shalt  }
0x51: {  	_ =	shalt  }
0x52: {  	_ =	shalt  }
0x53: {  	_ =	shalt  }
0x54: {  	_ =	shalt  }
0x55: {  	_ =	shalt  }
0x56: {  	_ =	shalt  }
0x57: {  	_ =	shalt  }
0x58: {  	_ =	shalt  }
0x59: {  	_ =	shalt  }
0x5a: {  	_ =	shalt  }
0x5b: {  	_ =	shalt  }
0x5c: {  	_ =	shalt  }
0x5d: {  	_ =	shalt  }
0x5e: {  	_ =	shalt  }
0x5f: {  	_ =	shalt  }
0x60: {  	_ =	shalt  }
0x61: {  	_ =	shalt  }
0x62: {  	_ =	shalt  }
0x63: {  	_ =	shalt  }
0x64: {  	_ =	shalt  }
0x65: {  	_ =	shalt  }
0x66: {  	_ =	shalt  }
0x67: {  	_ =	shalt  }
0x68: {  	_ =	shalt  }
0x69: {  	_ =	shalt  }
0x6a: {  	_ =	shalt  }
0x6b: {  	_ =	shalt  }
0x6c: {  	_ =	shalt  }
0x6d: {  	_ =	shalt  }
0x6e: {  	_ =	shalt  }
0x6f: {  	_ =	shalt  }
0x70: {  	_ =	shalt  }
0x71: {  	_ =	shalt  }
0x72: {  	_ =	shalt  }
0x73: {  	_ =	shalt  }
0x74: {  	_ =	shalt  }
0x75: {  	_ =	shalt  }
0x76: {  	_ =	shalt  }
0x77: {  	_ =	shalt  }
0x78: {  	_ =	shalt  }
0x79: {  	_ =	shalt  }
0x7a: {  	_ =	shalt  }
0x7b: {  	_ =	shalt  }
0x7c: {  	_ =	shalt  }
0x7d: {  	_ =	shalt  }
0x7e: {  	_ =	shalt  }
0x7f: {  	_ =	shalt  }
0x80: {  	_ =	shalt  }
0x81: {  	_ =	shalt  }
0x82: {  	_ =	shalt  }
0x83: {  	_ =	shalt  }
0x84: {  	_ =	shalt  }
0x85: {  	_ =	shalt  }
0x86: {  	_ =	shalt  }
0x87: {  	_ =	shalt  }
.Lfunc_end0:
.L_simem_size_0:
called_computation_lowered:
.L_overlay_start_0:
0x88: {  	s2 =	sld [smem:$0x3FD9]  }
0x89: {  	s3 =	sld [smem:$0x3FFE];
	_ =	sdelay $0x1  }
0x8a: {  	s1 =	srdreg.scid  }
0x8b: {  	s0 =	sand.u32 $0x1, s1  }
0x8c: {  	s17 =	sshll.u32 s0, $0xA;
	s2 =	sadd.s32 s3, s2  }
0x8d: {  	s2 =	sadd.s32 s2, s17  }
0x8e: {  	[smem:$0x3FB9] =	sst s2  }
0x8f: {  	_ = 	snop  }
0x90: {  	s2 =	sld [smem:$0x3FC9];
	(tm) =	ssettm $0x1  }
0x91: {  	s18 =	sld [smem:$0x3FFB];
	_ =	sdelay $0x3  }
0x92: {  	_ =	strace s18  }
0x93: {  	s3 =	sld [smem:$0x3FFC];
	_ =	sdelay $0x3  }
0x94: {  	_ =	strace s3  }
0x95: {  	s3 =	sld [smem:$0x3FFD];
	_ =	sdelay $0x3  }
0x96: {  	_ =	strace s3  }
0x97: {  	_ =	strace $0x8FFFFFFF  }
0x98: {  	s19 =	sld [smem:$0x3FDB];
	_ =	sdelay $0x1  }
0x99: {  	s4 =	simm.s32 $_scs_section_size  }
0x9a: {  	s5 =	simm.s32 $_size__tile_overlayer_lowered;
	s6 =	simm.s32 $_tile_overlayer_lowered  }
0x9b: {  	s22 =	simm.s32 $0x1BFF;
	s21 =	sshll.u32 s6, $0x1;
	s3 =	sadd.s32 s4, s19  }
0x9c: {  	s7 =	simm.s32 $0x0;
	s20 =	sshll.u32 s5, $0x1;
	s5 =	sadd.s32 s21, s3  }
0x9d: {  	[timem:s7], [sflag:s22] =	dma.local [hbm:s5], s20  }
0x9e: {  	_ =	swait.ge [sflag:s22], s20  }
0x9f: {  	s4 =	ssub.s32 $0x0, s20;
	[sflag:s22] =	ssyncset.done $0x0  }
0xa0: {  	[sflag:s22] =	ssyncadd.s32 s4;
	_ =	sdelay $0x1  }
0xa1: {  	s23 =	simm.s32 $0x1B8B  }
0xa2: {  	_ =	swait.ge [sflag:s23], $0x1  }
0xa3: {  	[sflag:s23] =	ssyncset.done $0x0  }
0xa4: {  	s25 =	simm.s32 $0x1B8E;
	s24 =	sld [smem:$0x3FFE];
	[sflag:s23] =	ssyncadd.s32 $0xFFFFFFFF  }
0xa5: {  	s26 =	simm.s32 $execute0_lowered;
	[smem:$0x3FD2] =	sst s25  }
0xa6: {  	s5 =	sshll.u32 s26, $0x1;
	_ =	strace $0x80000046;
	[dreg:$0x1] =	wrdreg $0xFFFFFFFF  }
0xa7: {  	s28 =	simm.s32 $_size_execute0_lowered;
	s3 =	sadd.s32 s3, s5;
	[dreg:$0x0] =	wrdreg $0x0  }
0xa8: {  	s5 =	sshll.u32 s28, $0x1;
	[dreg:$0x2] =	wrdreg s3  }
0xa9: {  	[dreg:$0x3] =	wrdreg s5  }
0xaa: {  	[dreg:$0x4] =	wrdreg $0xC0  }
0xab: {  	_ =	task [dreg:s7], $0x5FFFF  }
0xac: {  	[dreg:$0x1] =	wrdreg $0xFFFFFFFF  }
0xad: {  	[dreg:$0x0] =	wrdreg $0x60  }
0xae: {  	[dreg:$0x2] =	wrdreg s2  }
0xaf: {  	[dreg:$0x3] =	wrdreg s24  }
0xb0: {  	[dreg:$0x4] =	wrdreg $0xA8000  }
0xb1: {  	[dreg:$0x5] =	wrdreg $0x9  }
0xb2: {  	_ =	task.clear_ibuf [dreg:s7], $0x6FFFF;
	_ =	strace $0x90000046  }
0xb3: {  	s29 =	simm.s32 $0x9;
	_ =	strace $0x80000048  }
0xb4: {  	_ =	swait.ge [sflag:s29], $0x1  }
0xb5: {  	[sflag:s29] =	ssyncadd.s32 $0xFFFFFFFF  }
0xb6: {  	_ =	strace $0x90000048  }
0xb7: {  	_ =	sfence  }
0xb8: {  	s30 =	sld [smem:$0x0];
	_ =	sdelay $0x2  }
0xb9: {  	s31 =	sshll.u32 s1, $0xD;
	s1 =	sshrl.u32 s1, $0x2  }
0xba: {  	s3 =	sand.u32 $0x4000, s31;
	s1 =	sadd.s32 s1, s30  }
0xbb: {  	s0 =	sor.u32 s3, s0;
	s1 =	sshll.u32 s1, $0x11  }
0xbc: {  	s0 =	sor.u32 s1, s0  }
0xbd: {  	s0 =	sadd.s32 $0x8F2B, s0  }
0xbe: {  	[sflag:s0] =	ssyncadd.remote.s32 $0x1  }
0xbf: {  	_ =	sfence.sel $0xFFFF  }
0xc0: {  	[dreg:$0x0] =	wrdreg $0xFFFFFFFF;
	(pc) =	sbr.abs _section_cstart, $3  }
0xc1: {  	[dreg:$0x1] =	wrdreg $0xFFFFFFFF  }
0xc2: {  	_ =	task.clear_ibuf [dreg:s7], $0x2FFFF;
	_ =	strace $0x9FFFFFFF  }
0xc3: {  	(tm) =	ssettm $0x7FFFFFFF  }
tec
execute0_lowered:
.L_overlay_start_1:
0x0: {  	(tag) =	ssettag $0x1  }
0x1: {  	s1 =	rddreg [dreg:$0x0]  }
0x2: {  	s6 =	rddreg [dreg:$0x1]  }
0x3: {  	s2 =	rddreg [dreg:$0x2]  }
0x4: {  	s0 =	rddreg [dreg:$0x3];
	s3 =	simm.s32 $0x0;
	s4 =	srdreg.scid  }
0x5: {  	s12 =	stileid.u32;
	s17 =	simm.s32 $0x8000;
	s18 =	simm.s32 $0x1  }
0x6: {  	s19 =	simm.s32 $0x0;
	[smem:$0x7FF] =	sst s3;
	s8 =	smul.u32 $0x13800, s12  }
0x7: {  	s5 =	sand.u32 $0x1, s4;
	s7 =	sshll.u32 s12, $0xB;
	s26 =	smul.u32 $0x4E000, s12  }
0x8: {  	s13 =	sadd.s32 $0x49800, s6;
	s29 =	sshll.u32 s12, $0x6;
	s15 =	sadd.s32 $0x138000, s2  }
0x9: {  	p0 =	sne.s32 s12, $0x0;
	s4 =	sshll.u32 s5, $0xF;
	_ =	strace $0x80000047  }
0xa: {  	s10 =	ssub.s32 $0x2, s5;
	s30 =	smul.u32 $0x138800, s5;
	s5 =	sor.u32 $0x1C02, s29  }
0xb: {  	s4 =	sor.u32 s7, s4;
	s28 =	sshrl.u32 s8, $0x3;
	s11 =	sshrl.u32 s10, $0x1  }
0xc: {  	s7 =	sshrl.u32 s26, $0x2;
	s9 =	sadd.s32 s4, s6;
	s4 =	sadd.s32 s28, s6  }
0xd: {  	s11 =	ssub.s32 s10, s11;
	s14 =	sadd.s32 s7, s2;
	s6 =	sadd.s32 $0x49600, s6  }
0xe: {  	s16 =	sadd.s32 s8, s30;
	s10 =	sshrl.u32 s30, $0x3;
	s4 =	sadd.s32 $0x22600, s4  }
0xf: {  	s7 =	sadd.s32 $0x2600, s9;
	s8 =	sadd.s32 $0x12600, s9;
	s31 =	sshrl.u32 s16, $0x3  }
0x10: {  	s10 =	sadd.s32 s13, s10;
	s11 =	smax.u32 s11, $0x1;
	s12 =	sshrl.u32 s14, $0x3  }
0x11: {  	s14 =	sshrl.u32 @!p0 s15, $0x3;
	s15 =	simm.s32 $0x4000;
	s16 =	simm.s32 $0x50  }
0x12: {  	s9 =	sadd.s32 s13, s31;
	s10 =	sadd.s32 $0x27000, s10;
	s13 =	simm.s32 $0x2  }
.LBB2_1:
0x13: {  	[spmem:s12], [sflag:s5] =	dma.local [hbm:s4], $0x2700  }
0x14: {  	_ =	swait.ge [sflag:s13], $0x2700  }
0x15: {  	[sflag:s13] =	ssyncset.done $0x0  }
0x16: {  	s20 =	simm.s32 @!p0 $0x2;
	[sflag:s13] =	ssyncadd.s32 $0xFFFFD900  }
0x17: {  	[spmem:s14], [sflag:s5] =	dma.local @!p0 [hbm:s6], $0x100  }
0x18: {  	_ =	swait.ge @!p0 [sflag:s20], $0x100  }
0x19: {  	[sflag:s20] =	ssyncset.done @!p0 $0x0  }
0x1a: {  	[sflag:s20] =	ssyncadd.s32 @!p0 $0xFFFFFF00  }
0x1b: {  	[tilespmem:s3], [sflag:$0x2] =	stream.linear.gather [hbm4b:s7+s3], $0x3E80, $0x38;
	[tilespmem:$0x1E080] =	vst v63  }
0x1c: {  	_ =	swait.ge [sflag:s13], $0x3E80  }
0x1d: {  	[sflag:s13] =	ssyncset.done $0x0  }
0x1e: {  	[sflag:s13] =	ssyncadd.s32 $0xFFFFC180  }
0x1f: {  	[tilespmem:s15], [sflag:$0x2] =	stream.linear.gather [hbm4b:s8+s3], $0x3E80, $0x38;
	[tilespmem:$0x1E080] =	vst v63  }
0x20: {  	_ =	swait.ge [sflag:s13], $0x3E80  }
0x21: {  	[sflag:s13] =	ssyncset.done $0x0  }
0x22: {  	[sflag:s13] =	ssyncadd.s32 $0xFFFFC180  }
0x23: {  	s30 =	simm.s32 $0x0;
	[bflag:$0x0] =	sbarrier.arrive $0xFFFF  }
0x24: {  	[tilespmem:s17], [sflag:$0x1] =	stream.indirect.gather [hbm4b:s1+s16], $0x80, s30, s16, $0xb8;
	[tilespmem:$0x1E080] =	vst v63  }
0x25: {  	_ =	swait.ge [sflag:s18], $0x2800  }
0x26: {  	[sflag:s18] =	ssyncset.done $0x0  }
0x27: {  	s31 =	simm.s32 $0x4000;
	[sflag:s18] =	ssyncadd.s32 $0xFFFFD800  }
0x28: {  	[spmem:s2] =	stream.indirect.scatter.add.f32 [tilespmem:s17], [sflag:$0x2], $0x80, s31, s16, $0xb8;
	[tilespmem:$0x1E080] =	vst v63  }
0x29: {  	_ =	swait.ge [sflag:s13], $0x2800  }
0x2a: {  	s21 =	simm.s32 $0x400;
	s20 =	simm.s32 $0x200;
	[sflag:s13] =	ssyncset.done $0x0  }
.LBB2_2:
0x2b: {  	s22 =	sshra.s32 s20, $0x2  }
0x2c: {  	[sflag:s13] =	ssyncadd.s32 $0xFFFFD800;
	s20 =	smov.u32 s21;
	s23 =	sadd.s32 $0x200, s21  }
0x2d: {  	[tilespmem:s17], [sflag:$0x1] =	stream.indirect.gather [hbm4b:s1+s16], $0x80, s22, s16, $0xb8;
	[tilespmem:$0x1E080] =	vst v63  }
0x2e: {  	p1 =	sne.s32 s21, $0xF800;
	_ =	swait.ge [sflag:s18], $0x2800  }
.Ltmp0:
0x2f: {  	[sflag:s18] =	ssyncset.done $0x0;
	(pc) =	sbr.rel @p1 .LBB2_2-.Ltmp0, $4  }
0x30: {  	s21 =	sadd.s32 $0x4000, s22;
	[sflag:s18] =	ssyncadd.s32 $0xFFFFD800  }
0x31: {  	[spmem:s2] =	stream.indirect.scatter.add.f32 [tilespmem:s17], [sflag:$0x2], $0x80, s21, s16, $0xb8;
	[tilespmem:$0x1E080] =	vst v63  }
0x32: {  	_ =	swait.ge [sflag:s13], $0x2800  }
0x33: {  	s21 =	smov.u32 s23;
	[sflag:s13] =	ssyncset.done $0x0  }
0x34: {  	s20 =	sshra.s32 s20, $0x2;
	[sflag:s13] =	ssyncadd.s32 $0xFFFFD800  }
0x35: {  	[tilespmem:s17], [sflag:$0x1] =	stream.indirect.gather [hbm4b:s1+s16], $0x80, s20, s16, $0xb8;
	[tilespmem:$0x1E080] =	vst v63  }
0x36: {  	_ =	swait.ge [sflag:s18], $0x2800  }
0x37: {  	[sflag:s18] =	ssyncset.done $0x0  }
0x38: {  	s20 =	sadd.s32 $0x4000, s20;
	[sflag:s18] =	ssyncadd.s32 $0xFFFFD800  }
0x39: {  	[spmem:s2] =	stream.indirect.scatter.add.f32 [tilespmem:s17], [sflag:$0x2], $0x80, s20, s16, $0xb8;
	[tilespmem:$0x1E080] =	vst v63  }
0x3a: {  	_ =	swait.ge [sflag:s13], $0x2800  }
0x3b: {  	[sflag:s13] =	ssyncset.done $0x0  }
0x3c: {  	[sflag:s13] =	ssyncadd.s32 $0xFFFFD800  }
0x3d: {  	[bflag:$0x0] =	sbarrier.arrive $0xFFFF  }
0x3e: {  	[hbm:s9], [sflag:s5] =	dma.local [spmem:s12], $0x2700  }
0x3f: {  	s19 =	sadd.s32 $0x1, s19;
	_ =	swait.ge [sflag:s13], $0x2700  }
0x40: {  	p1 =	sne.s32 s19, s11;
	[sflag:s13] =	ssyncset.done $0x0  }
.Ltmp1:
0x41: {  	s20 =	simm.s32 @!p0 $0x2;
	[sflag:s13] =	ssyncadd.s32 $0xFFFFD900;
	(pc) =	sbr.rel @p1 .LBB2_1-.Ltmp1, $4  }
0x42: {  	[hbm:s10], [sflag:s5] =	dma.local @!p0 [spmem:s14], $0x100  }
0x43: {  	_ =	swait.ge @!p0 [sflag:s20], $0x100  }
0x44: {  	[sflag:s20] =	ssyncset.done @!p0 $0x0  }
0x45: {  	[sflag:s20] =	ssyncadd.s32 @!p0 $0xFFFFFF00  }
0x46: {  	_ =	sfence.sel $0x180000  }
0x47: {  	[bflag:$0x0] =	sbarrier.arrive $0xFFFF  }
0x48: {  	_ =	strace $0x90000047  }
0x49: {  	s0 =	sadd.s32 @!p0 $0x100000, s0;
	[bflag:$0x2] =	sbarrier.arrive $0xFFFF  }
0x4a: {  	[sflag:s0] =	ssyncadd.tile.s32 @!p0 $0x1;
	_ =	shalt  }
.Lfunc_end2:
_tile_overlayer_lowered:
.L_overlay_start_2:
0x4b: {  	(tag) =	ssettag $0x2  }
0x4c: {  	s0 =	rddreg [dreg:$0x0];
	s2 =	stileid.u32  }
0x4d: {  	s1 =	rddreg [dreg:$0x1];
	p0 =	sne.s32 s2, $0x0  }
0x4e: {  	s3 =	rddreg [dreg:$0x2];
	[bflag:$0x3] =	sbarrier.arrive $0xFFFF;
	s2 =	simm.s32 @!p0 $0x1C02  }
0x4f: {  	[timem:s3], [sflag:s2] =	dma.local @!p0 [hbm:s0], s1  }
0x50: {  	s0 =	simm.s32 @!p0 $0x2  }
0x51: {  	_ =	swait.ge @!p0 [sflag:s0], s1  }
0x52: {  	s1 =	ssub.s32 @!p0 $0x0, s1;
	[sflag:s0] =	ssyncset.done @!p0 $0x0  }
0x53: {  	[sflag:s0] =	ssyncadd.s32 @!p0 s1  }
0x54: {  	[bflag:$0x3] =	sbarrier.arrive $0xFFFF  }
0x55: {  	_ =	shalt  }

</sc_bundles>
